<compile_context>
chip_gen: v7x
topology: tpu7x:2x2x1
jax: 0.10.2.dev20260603
libtpu: 0.0.44.dev20260713+nightly
codegen_flags: <defaults>
</compile_context>

<pallas_src>
import functools

import jax
import jax.numpy as jnp
from jax import lax
from jax.experimental import pallas as pl
from jax.experimental.pallas import tpu as pltpu
from jax.experimental.pallas import tpu_sc as plsc

BATCH = 16384
DIM = 64
WIDE = 2 * DIM
NC = 2
NS = 16
NW = NC * NS
BPW = BATCH // NW
CHUNK = 128
NCHUNK = BPW // CHUNK
HALF = BPW // 2


def _sc_gather(idx_h, idx_r, idx_t, ent128, rel128):
    mesh = plsc.VectorSubcoreMesh(core_axis_name="c", subcore_axis_name="s")
    row_t = jax.ShapeDtypeStruct((BATCH, WIDE), jnp.float32)

    @functools.partial(
        pl.kernel,
        mesh=mesh,
        out_type=[row_t, row_t, row_t],
        compiler_params=pltpu.CompilerParams(use_tc_tiling_on_sc=False),
        scratch_types=[
            pltpu.VMEM((NCHUNK, CHUNK), jnp.int32),
            pltpu.VMEM((NCHUNK, CHUNK), jnp.int32),
            pltpu.VMEM((NCHUNK, CHUNK), jnp.int32),
            pltpu.VMEM((HALF, WIDE), jnp.float32),
            pltpu.VMEM((HALF, WIDE), jnp.float32),
            pltpu.SemaphoreType.DMA,
            pltpu.SemaphoreType.DMA,
            pltpu.SemaphoreType.DMA,
        ],
    )
    def k(ih_hbm, ir_hbm, it_hbm, ent_hbm, rel_hbm,
          oh_hbm, ot_hbm, orel_hbm,
          ih_v, ir_v, it_v, rows0_v, rows1_v, gsem, ssem0, ssem1):
        wid = lax.axis_index("s") * NC + lax.axis_index("c")
        base = wid * BPW
        crow = wid * NCHUNK
        pltpu.sync_copy(ih_hbm.at[pl.ds(crow, NCHUNK)], ih_v)
        pltpu.sync_copy(ir_hbm.at[pl.ds(crow, NCHUNK)], ir_v)
        pltpu.sync_copy(it_hbm.at[pl.ds(crow, NCHUNK)], it_v)

        rows = (rows0_v, rows1_v)
        ssems = (ssem0, ssem1)
        stages = []
        for idx_v, table, out in (
            (ih_v, ent_hbm, oh_hbm),
            (it_v, ent_hbm, ot_hbm),
            (ir_v, rel_hbm, orel_hbm),
        ):
            for half in range(2):
                stages.append((table, idx_v, out, half))

        def fire_gather(s):
            table, idx_v, _, half = stages[s]
            buf = rows[s % 2]
            return [
                pltpu.async_copy(
                    table.at[idx_v.at[2 * half + c]],
                    buf.at[pl.ds(c * CHUNK, CHUNK)],
                    gsem,
                )
                for c in range(2)
            ]

        def fire_store(s):
            out, half = stages[s][2], stages[s][3]
            buf = rows[s % 2]
            return pltpu.async_copy(
                buf,
                out.at[pl.ds(base + half * HALF, HALF)],
                ssems[s % 2],
            )

        stores = [None] * 6
        g = fire_gather(0)
        for s in range(6):
            for hnd in g:
                hnd.wait()
            stores[s] = fire_store(s)
            if s < 5:
                if s >= 1:
                    stores[s - 1].wait()
                g = fire_gather(s + 1)
        stores[4].wait()
        stores[5].wait()

    return k(idx_h, idx_r, idx_t, ent128, rel128)


def _score_body(h_ref, t_ref, rel_ref, o_ref):
    h = h_ref[...][:, :DIM]
    t = t_ref[...][:, :DIM]
    rel = rel_ref[...]
    dr = rel[:, :DIM]
    w = rel[:, DIM:]
    nw = jnp.sqrt(jnp.sum(w * w, axis=-1, keepdims=True))
    wn = w / jnp.maximum(nw, 1e-12)
    hv = h - jnp.sum(h * wn, axis=-1, keepdims=True) * wn
    tv = t - jnp.sum(t * wn, axis=-1, keepdims=True) * wn
    hn = jnp.sqrt(jnp.sum(hv * hv, axis=-1, keepdims=True))
    hv = hv / jnp.maximum(hn, 1e-12)
    tn = jnp.sqrt(jnp.sum(tv * tv, axis=-1, keepdims=True))
    tv = tv / jnp.maximum(tn, 1e-12)
    diff = hv + dr - tv
    o_ref[...] = jnp.sqrt(jnp.sum(diff * diff, axis=-1))


def _tc_score(h, t, rel):
    bt = 2048
    grid = (BATCH // bt,)
    spec = pl.BlockSpec((bt, WIDE), lambda i: (i, 0))
    return pl.pallas_call(
        _score_body,
        grid=grid,
        in_specs=[spec, spec, spec],
        out_specs=pl.BlockSpec((bt,), lambda i: (i,)),
        out_shape=jax.ShapeDtypeStruct((BATCH,), jnp.float32),
    )(h, t, rel)


def kernel(sample, entity_embedding, translation_embedding, norm_vector):
    sample = sample.astype(jnp.int32)
    idx_h = sample[:, 0].reshape(NW * NCHUNK, CHUNK)
    idx_r = sample[:, 1].reshape(NW * NCHUNK, CHUNK)
    idx_t = sample[:, 2].reshape(NW * NCHUNK, CHUNK)
    ent128 = jnp.pad(entity_embedding, ((0, 0), (0, DIM)))
    rel128 = jnp.concatenate([translation_embedding, norm_vector], axis=1)
    h, t, rel = _sc_gather(idx_h, idx_r, idx_t, ent128, rel128)
    return _tc_score(h, t, rel)

# --- scband reference (transcript-rebuilt; emitter-appended) ---
"""Pipeline reference for scband-trans-h-24412594111158 (READ-ONLY COPY).

The authoritative reference and input builder live on the scoring server;
editing this copy changes nothing except your own understanding.
"""

import jax, jax.numpy as jnp
import numpy as np

ENTITY_DICT_LEN = 100000
RELATION_DICT_LEN = 100000
EMBEDDING_DIM = 64
BATCH = 16384


def _xavier_uniform(key, shape):
    fan_in, fan_out = shape[0], shape[1]
    limit = float(np.sqrt(6.0 / (fan_in + fan_out)))
    return jax.random.uniform(key, shape, dtype=jnp.float32, minval=-limit, maxval=limit)


def _l2_normalize(x, eps=1e-12):
    # matches torch.nn.functional.normalize(p=2): x / max(||x||, eps)
    n = jnp.sqrt(jnp.sum(x * x, axis=-1, keepdims=True))
    return x / jnp.maximum(n, eps)


def setup_inputs(seed: int = 0) -> dict:
    key = jax.random.key(seed)
    k1, k2, k3, k4 = jax.random.split(key, 4)
    sample = jax.random.randint(k1, (BATCH, 3), 0, ENTITY_DICT_LEN, dtype=jnp.int64 if jax.config.read('jax_enable_x64') else jnp.int32)
    entity_embedding = _xavier_uniform(k2, (ENTITY_DICT_LEN, EMBEDDING_DIM))
    translation_embedding = _xavier_uniform(k3, (RELATION_DICT_LEN, EMBEDDING_DIM))
    norm_vector = _xavier_uniform(k4, (RELATION_DICT_LEN, EMBEDDING_DIM))
    return {
        'sample': sample,
        'entity_embedding': entity_embedding,
        'translation_embedding': translation_embedding,
        'norm_vector': norm_vector,
    }


def reference(sample, entity_embedding, translation_embedding, norm_vector):
    batch_h = sample[:, 0]
    batch_r = sample[:, 1]
    batch_t = sample[:, 2]
    h = jnp.take(entity_embedding, batch_h, axis=0)
    d_r = jnp.take(translation_embedding, batch_r, axis=0)
    t = jnp.take(entity_embedding, batch_t, axis=0)
    w_r = jnp.take(norm_vector, batch_r, axis=0)
    w_r = _l2_normalize(w_r)
    h_vertical = h - jnp.sum(h * w_r, axis=-1, keepdims=True) * w_r
    t_vertical = t - jnp.sum(t * w_r, axis=-1, keepdims=True) * w_r
    h_vertical = _l2_normalize(h_vertical)
    t_vertical = _l2_normalize(t_vertical)
    diff = h_vertical + d_r - t_vertical
    score = jnp.sqrt(jnp.sum(diff * diff, axis=-1))
    return score

if __name__ == "__main__":
    import jax
    _d = setup_inputs()
    print(jax.jit(kernel)(*tuple(_d.values())))

</pallas_src>

<mosaic_0001>
#map = affine_map<(d0, d1) -> (0, 0)>
module attributes {stable_mosaic.version = 14 : i64} {
  func.func @k(%arg0: i32, %arg1: i32, %arg2: memref<128x128xi32, #tpu.memory_space<hbm>>, %arg3: memref<128x128xi32, #tpu.memory_space<hbm>>, %arg4: memref<128x128xi32, #tpu.memory_space<hbm>>, %arg5: memref<100000x128xf32, #tpu.memory_space<hbm>>, %arg6: memref<100000x128xf32, #tpu.memory_space<hbm>>, %arg7: memref<16384x128xf32, #tpu.memory_space<hbm>>, %arg8: memref<16384x128xf32, #tpu.memory_space<hbm>>, %arg9: memref<16384x128xf32, #tpu.memory_space<hbm>>, %arg10: memref<4x128xi32, #tpu.memory_space<vmem>>, %arg11: memref<4x128xi32, #tpu.memory_space<vmem>>, %arg12: memref<4x128xi32, #tpu.memory_space<vmem>>, %arg13: memref<256x128xf32, #tpu.memory_space<vmem>>, %arg14: memref<256x128xf32, #tpu.memory_space<vmem>>, %arg15: memref<!tpu.dma_semaphore, #tpu.memory_space<semaphore_mem>>, %arg16: memref<!tpu.dma_semaphore, #tpu.memory_space<semaphore_mem>>, %arg17: memref<!tpu.dma_semaphore, #tpu.memory_space<semaphore_mem>>) attributes {dimension_semantics = [#tpu.dimension_semantics<core_parallel>, #tpu.dimension_semantics<subcore_parallel>], iteration_bounds = array<i64: 2, 16>, scalar_prefetch = 0 : i64, scratch_operands = 8 : i64, tpu.core_type = #tpu.core_type<sc_vector_subcore>, window_params = [{transform_indices = #map}, {transform_indices = #map}, {transform_indices = #map}, {transform_indices = #map}, {transform_indices = #map}, {transform_indices = #map}, {transform_indices = #map}, {transform_indices = #map}]} {
    %mul3A = arith.constant 2 : i32
    %mul3A_0 = arith.muli %arg1, %mul3A : i32
    %add3A = arith.addi %mul3A_0, %arg0 : i32
    %mul3A_1 = arith.constant 512 : i32
    %mul3A_2 = arith.muli %add3A, %mul3A_1 : i32
    %mul3A_3 = arith.constant 4 : i32
    %mul3A_4 = arith.muli %add3A, %mul3A_3 : i32
    "tpu.region"() ({
      %run_scoped3A = tpu.sem_alloc : memref<!tpu.dma_semaphore, #tpu.memory_space<semaphore_mem>>
      %dma_start3A_303 = arith.constant 0 : i32
      %dma_start3A_304 = tpu.memref_slice %arg2[%mul3A_4, %dma_start3A_303] : memref<128x128xi32, #tpu.memory_space<hbm>> -> memref<4x128xi32, #tpu.memory_space<hbm>>
      %dma_start3A_305 = arith.constant 0 : i32
      %dma_start3A_306 = tpu.memref_slice %arg2[%mul3A_4, %dma_start3A_305] : memref<128x128xi32, #tpu.memory_space<hbm>> -> memref<4x128xi32, #tpu.memory_space<hbm>>
      tpu.enqueue_dma source(%dma_start3A_306 : memref<4x128xi32, #tpu.memory_space<hbm>>) target(%arg10 : memref<4x128xi32, #tpu.memory_space<vmem>>) target_semaphore(%run_scoped3A : memref<!tpu.dma_semaphore, #tpu.memory_space<semaphore_mem>>)
      %dma_wait3A_307 = arith.constant 0 : i32
      %dma_wait3A_308 = tpu.memref_slice %arg2[%mul3A_4, %dma_wait3A_307] : memref<128x128xi32, #tpu.memory_space<hbm>> -> memref<4x128xi32, #tpu.memory_space<hbm>>
      %dma_wait3A_309 = arith.constant 0 : i32
      %dma_wait3A_310 = tpu.memref_slice %arg2[%mul3A_4, %dma_wait3A_309] : memref<128x128xi32, #tpu.memory_space<hbm>> -> memref<4x128xi32, #tpu.memory_space<hbm>>
      tpu.wait_dma2 semaphore(%run_scoped3A : memref<!tpu.dma_semaphore, #tpu.memory_space<semaphore_mem>>) src(%dma_wait3A_310 : memref<4x128xi32, #tpu.memory_space<hbm>>) dst(%arg10 : memref<4x128xi32, #tpu.memory_space<vmem>>)
      tpu.yield
    }) : () -> ()
    "tpu.region"() ({
      %run_scoped3A = tpu.sem_alloc : memref<!tpu.dma_semaphore, #tpu.memory_space<semaphore_mem>>
      %dma_start3A_303 = arith.constant 0 : i32
      %dma_start3A_304 = tpu.memref_slice %arg3[%mul3A_4, %dma_start3A_303] : memref<128x128xi32, #tpu.memory_space<hbm>> -> memref<4x128xi32, #tpu.memory_space<hbm>>
      %dma_start3A_305 = arith.constant 0 : i32
      %dma_start3A_306 = tpu.memref_slice %arg3[%mul3A_4, %dma_start3A_305] : memref<128x128xi32, #tpu.memory_space<hbm>> -> memref<4x128xi32, #tpu.memory_space<hbm>>
      tpu.enqueue_dma source(%dma_start3A_306 : memref<4x128xi32, #tpu.memory_space<hbm>>) target(%arg11 : memref<4x128xi32, #tpu.memory_space<vmem>>) target_semaphore(%run_scoped3A : memref<!tpu.dma_semaphore, #tpu.memory_space<semaphore_mem>>)
      %dma_wait3A_307 = arith.constant 0 : i32
      %dma_wait3A_308 = tpu.memref_slice %arg3[%mul3A_4, %dma_wait3A_307] : memref<128x128xi32, #tpu.memory_space<hbm>> -> memref<4x128xi32, #tpu.memory_space<hbm>>
      %dma_wait3A_309 = arith.constant 0 : i32
      %dma_wait3A_310 = tpu.memref_slice %arg3[%mul3A_4, %dma_wait3A_309] : memref<128x128xi32, #tpu.memory_space<hbm>> -> memref<4x128xi32, #tpu.memory_space<hbm>>
      tpu.wait_dma2 semaphore(%run_scoped3A : memref<!tpu.dma_semaphore, #tpu.memory_space<semaphore_mem>>) src(%dma_wait3A_310 : memref<4x128xi32, #tpu.memory_space<hbm>>) dst(%arg11 : memref<4x128xi32, #tpu.memory_space<vmem>>)
      tpu.yield
    }) : () -> ()
    "tpu.region"() ({
      %run_scoped3A = tpu.sem_alloc : memref<!tpu.dma_semaphore, #tpu.memory_space<semaphore_mem>>
      %dma_start3A_303 = arith.constant 0 : i32
      %dma_start3A_304 = tpu.memref_slice %arg4[%mul3A_4, %dma_start3A_303] : memref<128x128xi32, #tpu.memory_space<hbm>> -> memref<4x128xi32, #tpu.memory_space<hbm>>
      %dma_start3A_305 = arith.constant 0 : i32
      %dma_start3A_306 = tpu.memref_slice %arg4[%mul3A_4, %dma_start3A_305] : memref<128x128xi32, #tpu.memory_space<hbm>> -> memref<4x128xi32, #tpu.memory_space<hbm>>
      tpu.enqueue_dma source(%dma_start3A_306 : memref<4x128xi32, #tpu.memory_space<hbm>>) target(%arg12 : memref<4x128xi32, #tpu.memory_space<vmem>>) target_semaphore(%run_scoped3A : memref<!tpu.dma_semaphore, #tpu.memory_space<semaphore_mem>>)
      %dma_wait3A_307 = arith.constant 0 : i32
      %dma_wait3A_308 = tpu.memref_slice %arg4[%mul3A_4, %dma_wait3A_307] : memref<128x128xi32, #tpu.memory_space<hbm>> -> memref<4x128xi32, #tpu.memory_space<hbm>>
      %dma_wait3A_309 = arith.constant 0 : i32
      %dma_wait3A_310 = tpu.memref_slice %arg4[%mul3A_4, %dma_wait3A_309] : memref<128x128xi32, #tpu.memory_space<hbm>> -> memref<4x128xi32, #tpu.memory_space<hbm>>
      tpu.wait_dma2 semaphore(%run_scoped3A : memref<!tpu.dma_semaphore, #tpu.memory_space<semaphore_mem>>) src(%dma_wait3A_310 : memref<4x128xi32, #tpu.memory_space<hbm>>) dst(%arg12 : memref<4x128xi32, #tpu.memory_space<vmem>>)
      tpu.yield
    }) : () -> ()
    %dma_start3A = arith.constant 0 : i32
    %dma_start3A_5 = arith.constant 0 : i32
    %dma_start3A_6 = arith.constant 0 : i32
    %dma_start3A_7 = tpu.memref_slice %arg13[%dma_start3A_5, %dma_start3A_6] : memref<256x128xf32, #tpu.memory_space<vmem>> -> memref<128x128xf32, #tpu.memory_space<vmem>>
    %dma_start3A_8 = arith.constant 0 : i32
    %dma_start3A_9 = tpu.memref_slice %arg10[%dma_start3A, %dma_start3A_8] : memref<4x128xi32, #tpu.memory_space<vmem>> -> memref<1x128xi32, #tpu.memory_space<vmem>>
    %dma_start3A_10 = tpu.memref_squeeze %dma_start3A_9 : memref<1x128xi32, #tpu.memory_space<vmem>> -> memref<128xi32, #tpu.memory_space<vmem>>
    %dma_start3A_11 = arith.constant 0 : i32
    %dma_start3A_12 = arith.constant 0 : i32
    %dma_start3A_13 = tpu.memref_slice %arg5[%dma_start3A_11, %dma_start3A_12] : memref<100000x128xf32, #tpu.memory_space<hbm>> -> memref<100000x128xf32, #tpu.memory_space<hbm>>
    tpu.enqueue_indirect_dma source(%dma_start3A_13 : memref<100000x128xf32, #tpu.memory_space<hbm>>) target(%dma_start3A_7 : memref<128x128xf32, #tpu.memory_space<vmem>>) offsets(%dma_start3A_10 : memref<128xi32, #tpu.memory_space<vmem>>) semaphore(%arg15 : memref<!tpu.dma_semaphore, #tpu.memory_space<semaphore_mem>>)
    %dma_start3A_14 = arith.constant 1 : i32
    %dma_start3A_15 = arith.constant 128 : i32
    %dma_start3A_16 = arith.constant 0 : i32
    %dma_start3A_17 = tpu.memref_slice %arg13[%dma_start3A_15, %dma_start3A_16] : memref<256x128xf32, #tpu.memory_space<vmem>> -> memref<128x128xf32, #tpu.memory_space<vmem>>
    %dma_start3A_18 = arith.constant 0 : i32
    %dma_start3A_19 = tpu.memref_slice %arg10[%dma_start3A_14, %dma_start3A_18] : memref<4x128xi32, #tpu.memory_space<vmem>> -> memref<1x128xi32, #tpu.memory_space<vmem>>
    %dma_start3A_20 = tpu.memref_squeeze %dma_start3A_19 : memref<1x128xi32, #tpu.memory_space<vmem>> -> memref<128xi32, #tpu.memory_space<vmem>>
    %dma_start3A_21 = arith.constant 0 : i32
    %dma_start3A_22 = arith.constant 0 : i32
    %dma_start3A_23 = tpu.memref_slice %arg5[%dma_start3A_21, %dma_start3A_22] : memref<100000x128xf32, #tpu.memory_space<hbm>> -> memref<100000x128xf32, #tpu.memory_space<hbm>>
    tpu.enqueue_indirect_dma source(%dma_start3A_23 : memref<100000x128xf32, #tpu.memory_space<hbm>>) target(%dma_start3A_17 : memref<128x128xf32, #tpu.memory_space<vmem>>) offsets(%dma_start3A_20 : memref<128xi32, #tpu.memory_space<vmem>>) semaphore(%arg15 : memref<!tpu.dma_semaphore, #tpu.memory_space<semaphore_mem>>)
    %dma_wait3A = arith.constant 0 : i32
    %dma_wait3A_24 = arith.constant 0 : i32
    %dma_wait3A_25 = arith.constant 0 : i32
    %dma_wait3A_26 = tpu.memref_slice %arg13[%dma_wait3A_24, %dma_wait3A_25] : memref<256x128xf32, #tpu.memory_space<vmem>> -> memref<128x128xf32, #tpu.memory_space<vmem>>
    %dma_wait3A_27 = arith.constant 0 : i32
    %dma_wait3A_28 = tpu.memref_slice %arg10[%dma_wait3A, %dma_wait3A_27] : memref<4x128xi32, #tpu.memory_space<vmem>> -> memref<1x128xi32, #tpu.memory_space<vmem>>
    %dma_wait3A_29 = tpu.memref_squeeze %dma_wait3A_28 : memref<1x128xi32, #tpu.memory_space<vmem>> -> memref<128xi32, #tpu.memory_space<vmem>>
    %dma_wait3A_30 = arith.constant 0 : i32
    %dma_wait3A_31 = arith.constant 0 : i32
    %dma_wait3A_32 = tpu.memref_slice %arg5[%dma_wait3A_30, %dma_wait3A_31] : memref<100000x128xf32, #tpu.memory_space<hbm>> -> memref<100000x128xf32, #tpu.memory_space<hbm>>
    tpu.wait_indirect_dma semaphore(%arg15 : memref<!tpu.dma_semaphore, #tpu.memory_space<semaphore_mem>>) src(%dma_wait3A_32 : memref<100000x128xf32, #tpu.memory_space<hbm>>) dst(%dma_wait3A_26 : memref<128x128xf32, #tpu.memory_space<vmem>>)
    %dma_wait3A_33 = arith.constant 1 : i32
    %dma_wait3A_34 = arith.constant 128 : i32
    %dma_wait3A_35 = arith.constant 0 : i32
    %dma_wait3A_36 = tpu.memref_slice %arg13[%dma_wait3A_34, %dma_wait3A_35] : memref<256x128xf32, #tpu.memory_space<vmem>> -> memref<128x128xf32, #tpu.memory_space<vmem>>
    %dma_wait3A_37 = arith.constant 0 : i32
    %dma_wait3A_38 = tpu.memref_slice %arg10[%dma_wait3A_33, %dma_wait3A_37] : memref<4x128xi32, #tpu.memory_space<vmem>> -> memref<1x128xi32, #tpu.memory_space<vmem>>
    %dma_wait3A_39 = tpu.memref_squeeze %dma_wait3A_38 : memref<1x128xi32, #tpu.memory_space<vmem>> -> memref<128xi32, #tpu.memory_space<vmem>>
    %dma_wait3A_40 = arith.constant 0 : i32
    %dma_wait3A_41 = arith.constant 0 : i32
    %dma_wait3A_42 = tpu.memref_slice %arg5[%dma_wait3A_40, %dma_wait3A_41] : memref<100000x128xf32, #tpu.memory_space<hbm>> -> memref<100000x128xf32, #tpu.memory_space<hbm>>
    tpu.wait_indirect_dma semaphore(%arg15 : memref<!tpu.dma_semaphore, #tpu.memory_space<semaphore_mem>>) src(%dma_wait3A_42 : memref<100000x128xf32, #tpu.memory_space<hbm>>) dst(%dma_wait3A_36 : memref<128x128xf32, #tpu.memory_space<vmem>>)
    %add3A_43 = arith.constant 0 : i32
    %add3A_44 = arith.addi %mul3A_2, %add3A_43 : i32
    %dma_start3A_45 = arith.constant 0 : i32
    %dma_start3A_46 = tpu.memref_slice %arg7[%add3A_44, %dma_start3A_45] : memref<16384x128xf32, #tpu.memory_space<hbm>> -> memref<256x128xf32, #tpu.memory_space<hbm>>
    %dma_start3A_47 = arith.constant 0 : i32
    %dma_start3A_48 = tpu.memref_slice %arg7[%add3A_44, %dma_start3A_47] : memref<16384x128xf32, #tpu.memory_space<hbm>> -> memref<256x128xf32, #tpu.memory_space<hbm>>
    tpu.enqueue_dma source(%arg13 : memref<256x128xf32, #tpu.memory_space<vmem>>) target(%dma_start3A_48 : memref<256x128xf32, #tpu.memory_space<hbm>>) target_semaphore(%arg16 : memref<!tpu.dma_semaphore, #tpu.memory_space<semaphore_mem>>)
    %dma_start3A_49 = arith.constant 2 : i32
    %dma_start3A_50 = arith.constant 0 : i32
    %dma_start3A_51 = arith.constant 0 : i32
    %dma_start3A_52 = tpu.memref_slice %arg14[%dma_start3A_50, %dma_start3A_51] : memref<256x128xf32, #tpu.memory_space<vmem>> -> memref<128x128xf32, #tpu.memory_space<vmem>>
    %dma_start3A_53 = arith.constant 0 : i32
    %dma_start3A_54 = tpu.memref_slice %arg10[%dma_start3A_49, %dma_start3A_53] : memref<4x128xi32, #tpu.memory_space<vmem>> -> memref<1x128xi32, #tpu.memory_space<vmem>>
    %dma_start3A_55 = tpu.memref_squeeze %dma_start3A_54 : memref<1x128xi32, #tpu.memory_space<vmem>> -> memref<128xi32, #tpu.memory_space<vmem>>
    %dma_start3A_56 = arith.constant 0 : i32
    %dma_start3A_57 = arith.constant 0 : i32
    %dma_start3A_58 = tpu.memref_slice %arg5[%dma_start3A_56, %dma_start3A_57] : memref<100000x128xf32, #tpu.memory_space<hbm>> -> memref<100000x128xf32, #tpu.memory_space<hbm>>
    tpu.enqueue_indirect_dma source(%dma_start3A_58 : memref<100000x128xf32, #tpu.memory_space<hbm>>) target(%dma_start3A_52 : memref<128x128xf32, #tpu.memory_space<vmem>>) offsets(%dma_start3A_55 : memref<128xi32, #tpu.memory_space<vmem>>) semaphore(%arg15 : memref<!tpu.dma_semaphore, #tpu.memory_space<semaphore_mem>>)
    %dma_start3A_59 = arith.constant 3 : i32
    %dma_start3A_60 = arith.constant 128 : i32
    %dma_start3A_61 = arith.constant 0 : i32
    %dma_start3A_62 = tpu.memref_slice %arg14[%dma_start3A_60, %dma_start3A_61] : memref<256x128xf32, #tpu.memory_space<vmem>> -> memref<128x128xf32, #tpu.memory_space<vmem>>
    %dma_start3A_63 = arith.constant 0 : i32
    %dma_start3A_64 = tpu.memref_slice %arg10[%dma_start3A_59, %dma_start3A_63] : memref<4x128xi32, #tpu.memory_space<vmem>> -> memref<1x128xi32, #tpu.memory_space<vmem>>
    %dma_start3A_65 = tpu.memref_squeeze %dma_start3A_64 : memref<1x128xi32, #tpu.memory_space<vmem>> -> memref<128xi32, #tpu.memory_space<vmem>>
    %dma_start3A_66 = arith.constant 0 : i32
    %dma_start3A_67 = arith.constant 0 : i32
    %dma_start3A_68 = tpu.memref_slice %arg5[%dma_start3A_66, %dma_start3A_67] : memref<100000x128xf32, #tpu.memory_space<hbm>> -> memref<100000x128xf32, #tpu.memory_space<hbm>>
    tpu.enqueue_indirect_dma source(%dma_start3A_68 : memref<100000x128xf32, #tpu.memory_space<hbm>>) target(%dma_start3A_62 : memref<128x128xf32, #tpu.memory_space<vmem>>) offsets(%dma_start3A_65 : memref<128xi32, #tpu.memory_space<vmem>>) semaphore(%arg15 : memref<!tpu.dma_semaphore, #tpu.memory_space<semaphore_mem>>)
    %dma_wait3A_69 = arith.constant 2 : i32
    %dma_wait3A_70 = arith.constant 0 : i32
    %dma_wait3A_71 = arith.constant 0 : i32
    %dma_wait3A_72 = tpu.memref_slice %arg14[%dma_wait3A_70, %dma_wait3A_71] : memref<256x128xf32, #tpu.memory_space<vmem>> -> memref<128x128xf32, #tpu.memory_space<vmem>>
    %dma_wait3A_73 = arith.constant 0 : i32
    %dma_wait3A_74 = tpu.memref_slice %arg10[%dma_wait3A_69, %dma_wait3A_73] : memref<4x128xi32, #tpu.memory_space<vmem>> -> memref<1x128xi32, #tpu.memory_space<vmem>>
    %dma_wait3A_75 = tpu.memref_squeeze %dma_wait3A_74 : memref<1x128xi32, #tpu.memory_space<vmem>> -> memref<128xi32, #tpu.memory_space<vmem>>
    %dma_wait3A_76 = arith.constant 0 : i32
    %dma_wait3A_77 = arith.constant 0 : i32
    %dma_wait3A_78 = tpu.memref_slice %arg5[%dma_wait3A_76, %dma_wait3A_77] : memref<100000x128xf32, #tpu.memory_space<hbm>> -> memref<100000x128xf32, #tpu.memory_space<hbm>>
    tpu.wait_indirect_dma semaphore(%arg15 : memref<!tpu.dma_semaphore, #tpu.memory_space<semaphore_mem>>) src(%dma_wait3A_78 : memref<100000x128xf32, #tpu.memory_space<hbm>>) dst(%dma_wait3A_72 : memref<128x128xf32, #tpu.memory_space<vmem>>)
    %dma_wait3A_79 = arith.constant 3 : i32
    %dma_wait3A_80 = arith.constant 128 : i32
    %dma_wait3A_81 = arith.constant 0 : i32
    %dma_wait3A_82 = tpu.memref_slice %arg14[%dma_wait3A_80, %dma_wait3A_81] : memref<256x128xf32, #tpu.memory_space<vmem>> -> memref<128x128xf32, #tpu.memory_space<vmem>>
    %dma_wait3A_83 = arith.constant 0 : i32
    %dma_wait3A_84 = tpu.memref_slice %arg10[%dma_wait3A_79, %dma_wait3A_83] : memref<4x128xi32, #tpu.memory_space<vmem>> -> memref<1x128xi32, #tpu.memory_space<vmem>>
    %dma_wait3A_85 = tpu.memref_squeeze %dma_wait3A_84 : memref<1x128xi32, #tpu.memory_space<vmem>> -> memref<128xi32, #tpu.memory_space<vmem>>
    %dma_wait3A_86 = arith.constant 0 : i32
    %dma_wait3A_87 = arith.constant 0 : i32
    %dma_wait3A_88 = tpu.memref_slice %arg5[%dma_wait3A_86, %dma_wait3A_87] : memref<100000x128xf32, #tpu.memory_space<hbm>> -> memref<100000x128xf32, #tpu.memory_space<hbm>>
    tpu.wait_indirect_dma semaphore(%arg15 : memref<!tpu.dma_semaphore, #tpu.memory_space<semaphore_mem>>) src(%dma_wait3A_88 : memref<100000x128xf32, #tpu.memory_space<hbm>>) dst(%dma_wait3A_82 : memref<128x128xf32, #tpu.memory_space<vmem>>)
    %add3A_89 = arith.constant 256 : i32
    %add3A_90 = arith.addi %mul3A_2, %add3A_89 : i32
    %dma_start3A_91 = arith.constant 0 : i32
    %dma_start3A_92 = tpu.memref_slice %arg7[%add3A_90, %dma_start3A_91] : memref<16384x128xf32, #tpu.memory_space<hbm>> -> memref<256x128xf32, #tpu.memory_space<hbm>>
    %dma_start3A_93 = arith.constant 0 : i32
    %dma_start3A_94 = tpu.memref_slice %arg7[%add3A_90, %dma_start3A_93] : memref<16384x128xf32, #tpu.memory_space<hbm>> -> memref<256x128xf32, #tpu.memory_space<hbm>>
    tpu.enqueue_dma source(%arg14 : memref<256x128xf32, #tpu.memory_space<vmem>>) target(%dma_start3A_94 : memref<256x128xf32, #tpu.memory_space<hbm>>) target_semaphore(%arg17 : memref<!tpu.dma_semaphore, #tpu.memory_space<semaphore_mem>>)
    %dma_wait3A_95 = arith.constant 0 : i32
    %dma_wait3A_96 = tpu.memref_slice %arg7[%add3A_44, %dma_wait3A_95] : memref<16384x128xf32, #tpu.memory_space<hbm>> -> memref<256x128xf32, #tpu.memory_space<hbm>>
    %dma_wait3A_97 = arith.constant 0 : i32
    %dma_wait3A_98 = tpu.memref_slice %arg7[%add3A_44, %dma_wait3A_97] : memref<16384x128xf32, #tpu.memory_space<hbm>> -> memref<256x128xf32, #tpu.memory_space<hbm>>
    tpu.wait_dma2 semaphore(%arg16 : memref<!tpu.dma_semaphore, #tpu.memory_space<semaphore_mem>>) src(%arg13 : memref<256x128xf32, #tpu.memory_space<vmem>>) dst(%dma_wait3A_98 : memref<256x128xf32, #tpu.memory_space<hbm>>)
    %dma_start3A_99 = arith.constant 0 : i32
    %dma_start3A_100 = arith.constant 0 : i32
    %dma_start3A_101 = arith.constant 0 : i32
    %dma_start3A_102 = tpu.memref_slice %arg13[%dma_start3A_100, %dma_start3A_101] : memref<256x128xf32, #tpu.memory_space<vmem>> -> memref<128x128xf32, #tpu.memory_space<vmem>>
    %dma_start3A_103 = arith.constant 0 : i32
    %dma_start3A_104 = tpu.memref_slice %arg12[%dma_start3A_99, %dma_start3A_103] : memref<4x128xi32, #tpu.memory_space<vmem>> -> memref<1x128xi32, #tpu.memory_space<vmem>>
    %dma_start3A_105 = tpu.memref_squeeze %dma_start3A_104 : memref<1x128xi32, #tpu.memory_space<vmem>> -> memref<128xi32, #tpu.memory_space<vmem>>
    %dma_start3A_106 = arith.constant 0 : i32
    %dma_start3A_107 = arith.constant 0 : i32
    %dma_start3A_108 = tpu.memref_slice %arg5[%dma_start3A_106, %dma_start3A_107] : memref<100000x128xf32, #tpu.memory_space<hbm>> -> memref<100000x128xf32, #tpu.memory_space<hbm>>
    tpu.enqueue_indirect_dma source(%dma_start3A_108 : memref<100000x128xf32, #tpu.memory_space<hbm>>) target(%dma_start3A_102 : memref<128x128xf32, #tpu.memory_space<vmem>>) offsets(%dma_start3A_105 : memref<128xi32, #tpu.memory_space<vmem>>) semaphore(%arg15 : memref<!tpu.dma_semaphore, #tpu.memory_space<semaphore_mem>>)
    %dma_start3A_109 = arith.constant 1 : i32
    %dma_start3A_110 = arith.constant 128 : i32
    %dma_start3A_111 = arith.constant 0 : i32
    %dma_start3A_112 = tpu.memref_slice %arg13[%dma_start3A_110, %dma_start3A_111] : memref<256x128xf32, #tpu.memory_space<vmem>> -> memref<128x128xf32, #tpu.memory_space<vmem>>
    %dma_start3A_113 = arith.constant 0 : i32
    %dma_start3A_114 = tpu.memref_slice %arg12[%dma_start3A_109, %dma_start3A_113] : memref<4x128xi32, #tpu.memory_space<vmem>> -> memref<1x128xi32, #tpu.memory_space<vmem>>
    %dma_start3A_115 = tpu.memref_squeeze %dma_start3A_114 : memref<1x128xi32, #tpu.memory_space<vmem>> -> memref<128xi32, #tpu.memory_space<vmem>>
    %dma_start3A_116 = arith.constant 0 : i32
    %dma_start3A_117 = arith.constant 0 : i32
    %dma_start3A_118 = tpu.memref_slice %arg5[%dma_start3A_116, %dma_start3A_117] : memref<100000x128xf32, #tpu.memory_space<hbm>> -> memref<100000x128xf32, #tpu.memory_space<hbm>>
    tpu.enqueue_indirect_dma source(%dma_start3A_118 : memref<100000x128xf32, #tpu.memory_space<hbm>>) target(%dma_start3A_112 : memref<128x128xf32, #tpu.memory_space<vmem>>) offsets(%dma_start3A_115 : memref<128xi32, #tpu.memory_space<vmem>>) semaphore(%arg15 : memref<!tpu.dma_semaphore, #tpu.memory_space<semaphore_mem>>)
    %dma_wait3A_119 = arith.constant 0 : i32
    %dma_wait3A_120 = arith.constant 0 : i32
    %dma_wait3A_121 = arith.constant 0 : i32
    %dma_wait3A_122 = tpu.memref_slice %arg13[%dma_wait3A_120, %dma_wait3A_121] : memref<256x128xf32, #tpu.memory_space<vmem>> -> memref<128x128xf32, #tpu.memory_space<vmem>>
    %dma_wait3A_123 = arith.constant 0 : i32
    %dma_wait3A_124 = tpu.memref_slice %arg12[%dma_wait3A_119, %dma_wait3A_123] : memref<4x128xi32, #tpu.memory_space<vmem>> -> memref<1x128xi32, #tpu.memory_space<vmem>>
    %dma_wait3A_125 = tpu.memref_squeeze %dma_wait3A_124 : memref<1x128xi32, #tpu.memory_space<vmem>> -> memref<128xi32, #tpu.memory_space<vmem>>
    %dma_wait3A_126 = arith.constant 0 : i32
    %dma_wait3A_127 = arith.constant 0 : i32
    %dma_wait3A_128 = tpu.memref_slice %arg5[%dma_wait3A_126, %dma_wait3A_127] : memref<100000x128xf32, #tpu.memory_space<hbm>> -> memref<100000x128xf32, #tpu.memory_space<hbm>>
    tpu.wait_indirect_dma semaphore(%arg15 : memref<!tpu.dma_semaphore, #tpu.memory_space<semaphore_mem>>) src(%dma_wait3A_128 : memref<100000x128xf32, #tpu.memory_space<hbm>>) dst(%dma_wait3A_122 : memref<128x128xf32, #tpu.memory_space<vmem>>)
    %dma_wait3A_129 = arith.constant 1 : i32
    %dma_wait3A_130 = arith.constant 128 : i32
    %dma_wait3A_131 = arith.constant 0 : i32
    %dma_wait3A_132 = tpu.memref_slice %arg13[%dma_wait3A_130, %dma_wait3A_131] : memref<256x128xf32, #tpu.memory_space<vmem>> -> memref<128x128xf32, #tpu.memory_space<vmem>>
    %dma_wait3A_133 = arith.constant 0 : i32
    %dma_wait3A_134 = tpu.memref_slice %arg12[%dma_wait3A_129, %dma_wait3A_133] : memref<4x128xi32, #tpu.memory_space<vmem>> -> memref<1x128xi32, #tpu.memory_space<vmem>>
    %dma_wait3A_135 = tpu.memref_squeeze %dma_wait3A_134 : memref<1x128xi32, #tpu.memory_space<vmem>> -> memref<128xi32, #tpu.memory_space<vmem>>
    %dma_wait3A_136 = arith.constant 0 : i32
    %dma_wait3A_137 = arith.constant 0 : i32
    %dma_wait3A_138 = tpu.memref_slice %arg5[%dma_wait3A_136, %dma_wait3A_137] : memref<100000x128xf32, #tpu.memory_space<hbm>> -> memref<100000x128xf32, #tpu.memory_space<hbm>>
    tpu.wait_indirect_dma semaphore(%arg15 : memref<!tpu.dma_semaphore, #tpu.memory_space<semaphore_mem>>) src(%dma_wait3A_138 : memref<100000x128xf32, #tpu.memory_space<hbm>>) dst(%dma_wait3A_132 : memref<128x128xf32, #tpu.memory_space<vmem>>)
    %add3A_139 = arith.constant 0 : i32
    %add3A_140 = arith.addi %mul3A_2, %add3A_139 : i32
    %dma_start3A_141 = arith.constant 0 : i32
    %dma_start3A_142 = tpu.memref_slice %arg8[%add3A_140, %dma_start3A_141] : memref<16384x128xf32, #tpu.memory_space<hbm>> -> memref<256x128xf32, #tpu.memory_space<hbm>>
    %dma_start3A_143 = arith.constant 0 : i32
    %dma_start3A_144 = tpu.memref_slice %arg8[%add3A_140, %dma_start3A_143] : memref<16384x128xf32, #tpu.memory_space<hbm>> -> memref<256x128xf32, #tpu.memory_space<hbm>>
    tpu.enqueue_dma source(%arg13 : memref<256x128xf32, #tpu.memory_space<vmem>>) target(%dma_start3A_144 : memref<256x128xf32, #tpu.memory_space<hbm>>) target_semaphore(%arg16 : memref<!tpu.dma_semaphore, #tpu.memory_space<semaphore_mem>>)
    %dma_wait3A_145 = arith.constant 0 : i32
    %dma_wait3A_146 = tpu.memref_slice %arg7[%add3A_90, %dma_wait3A_145] : memref<16384x128xf32, #tpu.memory_space<hbm>> -> memref<256x128xf32, #tpu.memory_space<hbm>>
    %dma_wait3A_147 = arith.constant 0 : i32
    %dma_wait3A_148 = tpu.memref_slice %arg7[%add3A_90, %dma_wait3A_147] : memref<16384x128xf32, #tpu.memory_space<hbm>> -> memref<256x128xf32, #tpu.memory_space<hbm>>
    tpu.wait_dma2 semaphore(%arg17 : memref<!tpu.dma_semaphore, #tpu.memory_space<semaphore_mem>>) src(%arg14 : memref<256x128xf32, #tpu.memory_space<vmem>>) dst(%dma_wait3A_148 : memref<256x128xf32, #tpu.memory_space<hbm>>)
    %dma_start3A_149 = arith.constant 2 : i32
    %dma_start3A_150 = arith.constant 0 : i32
    %dma_start3A_151 = arith.constant 0 : i32
    %dma_start3A_152 = tpu.memref_slice %arg14[%dma_start3A_150, %dma_start3A_151] : memref<256x128xf32, #tpu.memory_space<vmem>> -> memref<128x128xf32, #tpu.memory_space<vmem>>
    %dma_start3A_153 = arith.constant 0 : i32
    %dma_start3A_154 = tpu.memref_slice %arg12[%dma_start3A_149, %dma_start3A_153] : memref<4x128xi32, #tpu.memory_space<vmem>> -> memref<1x128xi32, #tpu.memory_space<vmem>>
    %dma_start3A_155 = tpu.memref_squeeze %dma_start3A_154 : memref<1x128xi32, #tpu.memory_space<vmem>> -> memref<128xi32, #tpu.memory_space<vmem>>
    %dma_start3A_156 = arith.constant 0 : i32
    %dma_start3A_157 = arith.constant 0 : i32
    %dma_start3A_158 = tpu.memref_slice %arg5[%dma_start3A_156, %dma_start3A_157] : memref<100000x128xf32, #tpu.memory_space<hbm>> -> memref<100000x128xf32, #tpu.memory_space<hbm>>
    tpu.enqueue_indirect_dma source(%dma_start3A_158 : memref<100000x128xf32, #tpu.memory_space<hbm>>) target(%dma_start3A_152 : memref<128x128xf32, #tpu.memory_space<vmem>>) offsets(%dma_start3A_155 : memref<128xi32, #tpu.memory_space<vmem>>) semaphore(%arg15 : memref<!tpu.dma_semaphore, #tpu.memory_space<semaphore_mem>>)
    %dma_start3A_159 = arith.constant 3 : i32
    %dma_start3A_160 = arith.constant 128 : i32
    %dma_start3A_161 = arith.constant 0 : i32
    %dma_start3A_162 = tpu.memref_slice %arg14[%dma_start3A_160, %dma_start3A_161] : memref<256x128xf32, #tpu.memory_space<vmem>> -> memref<128x128xf32, #tpu.memory_space<vmem>>
    %dma_start3A_163 = arith.constant 0 : i32
    %dma_start3A_164 = tpu.memref_slice %arg12[%dma_start3A_159, %dma_start3A_163] : memref<4x128xi32, #tpu.memory_space<vmem>> -> memref<1x128xi32, #tpu.memory_space<vmem>>
    %dma_start3A_165 = tpu.memref_squeeze %dma_start3A_164 : memref<1x128xi32, #tpu.memory_space<vmem>> -> memref<128xi32, #tpu.memory_space<vmem>>
    %dma_start3A_166 = arith.constant 0 : i32
    %dma_start3A_167 = arith.constant 0 : i32
    %dma_start3A_168 = tpu.memref_slice %arg5[%dma_start3A_166, %dma_start3A_167] : memref<100000x128xf32, #tpu.memory_space<hbm>> -> memref<100000x128xf32, #tpu.memory_space<hbm>>
    tpu.enqueue_indirect_dma source(%dma_start3A_168 : memref<100000x128xf32, #tpu.memory_space<hbm>>) target(%dma_start3A_162 : memref<128x128xf32, #tpu.memory_space<vmem>>) offsets(%dma_start3A_165 : memref<128xi32, #tpu.memory_space<vmem>>) semaphore(%arg15 : memref<!tpu.dma_semaphore, #tpu.memory_space<semaphore_mem>>)
    %dma_wait3A_169 = arith.constant 2 : i32
    %dma_wait3A_170 = arith.constant 0 : i32
    %dma_wait3A_171 = arith.constant 0 : i32
    %dma_wait3A_172 = tpu.memref_slice %arg14[%dma_wait3A_170, %dma_wait3A_171] : memref<256x128xf32, #tpu.memory_space<vmem>> -> memref<128x128xf32, #tpu.memory_space<vmem>>
    %dma_wait3A_173 = arith.constant 0 : i32
    %dma_wait3A_174 = tpu.memref_slice %arg12[%dma_wait3A_169, %dma_wait3A_173] : memref<4x128xi32, #tpu.memory_space<vmem>> -> memref<1x128xi32, #tpu.memory_space<vmem>>
    %dma_wait3A_175 = tpu.memref_squeeze %dma_wait3A_174 : memref<1x128xi32, #tpu.memory_space<vmem>> -> memref<128xi32, #tpu.memory_space<vmem>>
    %dma_wait3A_176 = arith.constant 0 : i32
    %dma_wait3A_177 = arith.constant 0 : i32
    %dma_wait3A_178 = tpu.memref_slice %arg5[%dma_wait3A_176, %dma_wait3A_177] : memref<100000x128xf32, #tpu.memory_space<hbm>> -> memref<100000x128xf32, #tpu.memory_space<hbm>>
    tpu.wait_indirect_dma semaphore(%arg15 : memref<!tpu.dma_semaphore, #tpu.memory_space<semaphore_mem>>) src(%dma_wait3A_178 : memref<100000x128xf32, #tpu.memory_space<hbm>>) dst(%dma_wait3A_172 : memref<128x128xf32, #tpu.memory_space<vmem>>)
    %dma_wait3A_179 = arith.constant 3 : i32
    %dma_wait3A_180 = arith.constant 128 : i32
    %dma_wait3A_181 = arith.constant 0 : i32
    %dma_wait3A_182 = tpu.memref_slice %arg14[%dma_wait3A_180, %dma_wait3A_181] : memref<256x128xf32, #tpu.memory_space<vmem>> -> memref<128x128xf32, #tpu.memory_space<vmem>>
    %dma_wait3A_183 = arith.constant 0 : i32
    %dma_wait3A_184 = tpu.memref_slice %arg12[%dma_wait3A_179, %dma_wait3A_183] : memref<4x128xi32, #tpu.memory_space<vmem>> -> memref<1x128xi32, #tpu.memory_space<vmem>>
    %dma_wait3A_185 = tpu.memref_squeeze %dma_wait3A_184 : memref<1x128xi32, #tpu.memory_space<vmem>> -> memref<128xi32, #tpu.memory_space<vmem>>
    %dma_wait3A_186 = arith.constant 0 : i32
    %dma_wait3A_187 = arith.constant 0 : i32
    %dma_wait3A_188 = tpu.memref_slice %arg5[%dma_wait3A_186, %dma_wait3A_187] : memref<100000x128xf32, #tpu.memory_space<hbm>> -> memref<100000x128xf32, #tpu.memory_space<hbm>>
    tpu.wait_indirect_dma semaphore(%arg15 : memref<!tpu.dma_semaphore, #tpu.memory_space<semaphore_mem>>) src(%dma_wait3A_188 : memref<100000x128xf32, #tpu.memory_space<hbm>>) dst(%dma_wait3A_182 : memref<128x128xf32, #tpu.memory_space<vmem>>)
    %add3A_189 = arith.constant 256 : i32
    %add3A_190 = arith.addi %mul3A_2, %add3A_189 : i32
    %dma_start3A_191 = arith.constant 0 : i32
    %dma_start3A_192 = tpu.memref_slice %arg8[%add3A_190, %dma_start3A_191] : memref<16384x128xf32, #tpu.memory_space<hbm>> -> memref<256x128xf32, #tpu.memory_space<hbm>>
    %dma_start3A_193 = arith.constant 0 : i32
    %dma_start3A_194 = tpu.memref_slice %arg8[%add3A_190, %dma_start3A_193] : memref<16384x128xf32, #tpu.memory_space<hbm>> -> memref<256x128xf32, #tpu.memory_space<hbm>>
    tpu.enqueue_dma source(%arg14 : memref<256x128xf32, #tpu.memory_space<vmem>>) target(%dma_start3A_194 : memref<256x128xf32, #tpu.memory_space<hbm>>) target_semaphore(%arg17 : memref<!tpu.dma_semaphore, #tpu.memory_space<semaphore_mem>>)
    %dma_wait3A_195 = arith.constant 0 : i32
    %dma_wait3A_196 = tpu.memref_slice %arg8[%add3A_140, %dma_wait3A_195] : memref<16384x128xf32, #tpu.memory_space<hbm>> -> memref<256x128xf32, #tpu.memory_space<hbm>>
    %dma_wait3A_197 = arith.constant 0 : i32
    %dma_wait3A_198 = tpu.memref_slice %arg8[%add3A_140, %dma_wait3A_197] : memref<16384x128xf32, #tpu.memory_space<hbm>> -> memref<256x128xf32, #tpu.memory_space<hbm>>
    tpu.wait_dma2 semaphore(%arg16 : memref<!tpu.dma_semaphore, #tpu.memory_space<semaphore_mem>>) src(%arg13 : memref<256x128xf32, #tpu.memory_space<vmem>>) dst(%dma_wait3A_198 : memref<256x128xf32, #tpu.memory_space<hbm>>)
    %dma_start3A_199 = arith.constant 0 : i32
    %dma_start3A_200 = arith.constant 0 : i32
    %dma_start3A_201 = arith.constant 0 : i32
    %dma_start3A_202 = tpu.memref_slice %arg13[%dma_start3A_200, %dma_start3A_201] : memref<256x128xf32, #tpu.memory_space<vmem>> -> memref<128x128xf32, #tpu.memory_space<vmem>>
    %dma_start3A_203 = arith.constant 0 : i32
    %dma_start3A_204 = tpu.memref_slice %arg11[%dma_start3A_199, %dma_start3A_203] : memref<4x128xi32, #tpu.memory_space<vmem>> -> memref<1x128xi32, #tpu.memory_space<vmem>>
    %dma_start3A_205 = tpu.memref_squeeze %dma_start3A_204 : memref<1x128xi32, #tpu.memory_space<vmem>> -> memref<128xi32, #tpu.memory_space<vmem>>
    %dma_start3A_206 = arith.constant 0 : i32
    %dma_start3A_207 = arith.constant 0 : i32
    %dma_start3A_208 = tpu.memref_slice %arg6[%dma_start3A_206, %dma_start3A_207] : memref<100000x128xf32, #tpu.memory_space<hbm>> -> memref<100000x128xf32, #tpu.memory_space<hbm>>
    tpu.enqueue_indirect_dma source(%dma_start3A_208 : memref<100000x128xf32, #tpu.memory_space<hbm>>) target(%dma_start3A_202 : memref<128x128xf32, #tpu.memory_space<vmem>>) offsets(%dma_start3A_205 : memref<128xi32, #tpu.memory_space<vmem>>) semaphore(%arg15 : memref<!tpu.dma_semaphore, #tpu.memory_space<semaphore_mem>>)
    %dma_start3A_209 = arith.constant 1 : i32
    %dma_start3A_210 = arith.constant 128 : i32
    %dma_start3A_211 = arith.constant 0 : i32
    %dma_start3A_212 = tpu.memref_slice %arg13[%dma_start3A_210, %dma_start3A_211] : memref<256x128xf32, #tpu.memory_space<vmem>> -> memref<128x128xf32, #tpu.memory_space<vmem>>
    %dma_start3A_213 = arith.constant 0 : i32
    %dma_start3A_214 = tpu.memref_slice %arg11[%dma_start3A_209, %dma_start3A_213] : memref<4x128xi32, #tpu.memory_space<vmem>> -> memref<1x128xi32, #tpu.memory_space<vmem>>
    %dma_start3A_215 = tpu.memref_squeeze %dma_start3A_214 : memref<1x128xi32, #tpu.memory_space<vmem>> -> memref<128xi32, #tpu.memory_space<vmem>>
    %dma_start3A_216 = arith.constant 0 : i32
    %dma_start3A_217 = arith.constant 0 : i32
    %dma_start3A_218 = tpu.memref_slice %arg6[%dma_start3A_216, %dma_start3A_217] : memref<100000x128xf32, #tpu.memory_space<hbm>> -> memref<100000x128xf32, #tpu.memory_space<hbm>>
    tpu.enqueue_indirect_dma source(%dma_start3A_218 : memref<100000x128xf32, #tpu.memory_space<hbm>>) target(%dma_start3A_212 : memref<128x128xf32, #tpu.memory_space<vmem>>) offsets(%dma_start3A_215 : memref<128xi32, #tpu.memory_space<vmem>>) semaphore(%arg15 : memref<!tpu.dma_semaphore, #tpu.memory_space<semaphore_mem>>)
    %dma_wait3A_219 = arith.constant 0 : i32
    %dma_wait3A_220 = arith.constant 0 : i32
    %dma_wait3A_221 = arith.constant 0 : i32
    %dma_wait3A_222 = tpu.memref_slice %arg13[%dma_wait3A_220, %dma_wait3A_221] : memref<256x128xf32, #tpu.memory_space<vmem>> -> memref<128x128xf32, #tpu.memory_space<vmem>>
    %dma_wait3A_223 = arith.constant 0 : i32
    %dma_wait3A_224 = tpu.memref_slice %arg11[%dma_wait3A_219, %dma_wait3A_223] : memref<4x128xi32, #tpu.memory_space<vmem>> -> memref<1x128xi32, #tpu.memory_space<vmem>>
    %dma_wait3A_225 = tpu.memref_squeeze %dma_wait3A_224 : memref<1x128xi32, #tpu.memory_space<vmem>> -> memref<128xi32, #tpu.memory_space<vmem>>
    %dma_wait3A_226 = arith.constant 0 : i32
    %dma_wait3A_227 = arith.constant 0 : i32
    %dma_wait3A_228 = tpu.memref_slice %arg6[%dma_wait3A_226, %dma_wait3A_227] : memref<100000x128xf32, #tpu.memory_space<hbm>> -> memref<100000x128xf32, #tpu.memory_space<hbm>>
    tpu.wait_indirect_dma semaphore(%arg15 : memref<!tpu.dma_semaphore, #tpu.memory_space<semaphore_mem>>) src(%dma_wait3A_228 : memref<100000x128xf32, #tpu.memory_space<hbm>>) dst(%dma_wait3A_222 : memref<128x128xf32, #tpu.memory_space<vmem>>)
    %dma_wait3A_229 = arith.constant 1 : i32
    %dma_wait3A_230 = arith.constant 128 : i32
    %dma_wait3A_231 = arith.constant 0 : i32
    %dma_wait3A_232 = tpu.memref_slice %arg13[%dma_wait3A_230, %dma_wait3A_231] : memref<256x128xf32, #tpu.memory_space<vmem>> -> memref<128x128xf32, #tpu.memory_space<vmem>>
    %dma_wait3A_233 = arith.constant 0 : i32
    %dma_wait3A_234 = tpu.memref_slice %arg11[%dma_wait3A_229, %dma_wait3A_233] : memref<4x128xi32, #tpu.memory_space<vmem>> -> memref<1x128xi32, #tpu.memory_space<vmem>>
    %dma_wait3A_235 = tpu.memref_squeeze %dma_wait3A_234 : memref<1x128xi32, #tpu.memory_space<vmem>> -> memref<128xi32, #tpu.memory_space<vmem>>
    %dma_wait3A_236 = arith.constant 0 : i32
    %dma_wait3A_237 = arith.constant 0 : i32
    %dma_wait3A_238 = tpu.memref_slice %arg6[%dma_wait3A_236, %dma_wait3A_237] : memref<100000x128xf32, #tpu.memory_space<hbm>> -> memref<100000x128xf32, #tpu.memory_space<hbm>>
    tpu.wait_indirect_dma semaphore(%arg15 : memref<!tpu.dma_semaphore, #tpu.memory_space<semaphore_mem>>) src(%dma_wait3A_238 : memref<100000x128xf32, #tpu.memory_space<hbm>>) dst(%dma_wait3A_232 : memref<128x128xf32, #tpu.memory_space<vmem>>)
    %add3A_239 = arith.constant 0 : i32
    %add3A_240 = arith.addi %mul3A_2, %add3A_239 : i32
    %dma_start3A_241 = arith.constant 0 : i32
    %dma_start3A_242 = tpu.memref_slice %arg9[%add3A_240, %dma_start3A_241] : memref<16384x128xf32, #tpu.memory_space<hbm>> -> memref<256x128xf32, #tpu.memory_space<hbm>>
    %dma_start3A_243 = arith.constant 0 : i32
    %dma_start3A_244 = tpu.memref_slice %arg9[%add3A_240, %dma_start3A_243] : memref<16384x128xf32, #tpu.memory_space<hbm>> -> memref<256x128xf32, #tpu.memory_space<hbm>>
    tpu.enqueue_dma source(%arg13 : memref<256x128xf32, #tpu.memory_space<vmem>>) target(%dma_start3A_244 : memref<256x128xf32, #tpu.memory_space<hbm>>) target_semaphore(%arg16 : memref<!tpu.dma_semaphore, #tpu.memory_space<semaphore_mem>>)
    %dma_wait3A_245 = arith.constant 0 : i32
    %dma_wait3A_246 = tpu.memref_slice %arg8[%add3A_190, %dma_wait3A_245] : memref<16384x128xf32, #tpu.memory_space<hbm>> -> memref<256x128xf32, #tpu.memory_space<hbm>>
    %dma_wait3A_247 = arith.constant 0 : i32
    %dma_wait3A_248 = tpu.memref_slice %arg8[%add3A_190, %dma_wait3A_247] : memref<16384x128xf32, #tpu.memory_space<hbm>> -> memref<256x128xf32, #tpu.memory_space<hbm>>
    tpu.wait_dma2 semaphore(%arg17 : memref<!tpu.dma_semaphore, #tpu.memory_space<semaphore_mem>>) src(%arg14 : memref<256x128xf32, #tpu.memory_space<vmem>>) dst(%dma_wait3A_248 : memref<256x128xf32, #tpu.memory_space<hbm>>)
    %dma_start3A_249 = arith.constant 2 : i32
    %dma_start3A_250 = arith.constant 0 : i32
    %dma_start3A_251 = arith.constant 0 : i32
    %dma_start3A_252 = tpu.memref_slice %arg14[%dma_start3A_250, %dma_start3A_251] : memref<256x128xf32, #tpu.memory_space<vmem>> -> memref<128x128xf32, #tpu.memory_space<vmem>>
    %dma_start3A_253 = arith.constant 0 : i32
    %dma_start3A_254 = tpu.memref_slice %arg11[%dma_start3A_249, %dma_start3A_253] : memref<4x128xi32, #tpu.memory_space<vmem>> -> memref<1x128xi32, #tpu.memory_space<vmem>>
    %dma_start3A_255 = tpu.memref_squeeze %dma_start3A_254 : memref<1x128xi32, #tpu.memory_space<vmem>> -> memref<128xi32, #tpu.memory_space<vmem>>
    %dma_start3A_256 = arith.constant 0 : i32
    %dma_start3A_257 = arith.constant 0 : i32
    %dma_start3A_258 = tpu.memref_slice %arg6[%dma_start3A_256, %dma_start3A_257] : memref<100000x128xf32, #tpu.memory_space<hbm>> -> memref<100000x128xf32, #tpu.memory_space<hbm>>
    tpu.enqueue_indirect_dma source(%dma_start3A_258 : memref<100000x128xf32, #tpu.memory_space<hbm>>) target(%dma_start3A_252 : memref<128x128xf32, #tpu.memory_space<vmem>>) offsets(%dma_start3A_255 : memref<128xi32, #tpu.memory_space<vmem>>) semaphore(%arg15 : memref<!tpu.dma_semaphore, #tpu.memory_space<semaphore_mem>>)
    %dma_start3A_259 = arith.constant 3 : i32
    %dma_start3A_260 = arith.constant 128 : i32
    %dma_start3A_261 = arith.constant 0 : i32
    %dma_start3A_262 = tpu.memref_slice %arg14[%dma_start3A_260, %dma_start3A_261] : memref<256x128xf32, #tpu.memory_space<vmem>> -> memref<128x128xf32, #tpu.memory_space<vmem>>
    %dma_start3A_263 = arith.constant 0 : i32
    %dma_start3A_264 = tpu.memref_slice %arg11[%dma_start3A_259, %dma_start3A_263] : memref<4x128xi32, #tpu.memory_space<vmem>> -> memref<1x128xi32, #tpu.memory_space<vmem>>
    %dma_start3A_265 = tpu.memref_squeeze %dma_start3A_264 : memref<1x128xi32, #tpu.memory_space<vmem>> -> memref<128xi32, #tpu.memory_space<vmem>>
    %dma_start3A_266 = arith.constant 0 : i32
    %dma_start3A_267 = arith.constant 0 : i32
    %dma_start3A_268 = tpu.memref_slice %arg6[%dma_start3A_266, %dma_start3A_267] : memref<100000x128xf32, #tpu.memory_space<hbm>> -> memref<100000x128xf32, #tpu.memory_space<hbm>>
    tpu.enqueue_indirect_dma source(%dma_start3A_268 : memref<100000x128xf32, #tpu.memory_space<hbm>>) target(%dma_start3A_262 : memref<128x128xf32, #tpu.memory_space<vmem>>) offsets(%dma_start3A_265 : memref<128xi32, #tpu.memory_space<vmem>>) semaphore(%arg15 : memref<!tpu.dma_semaphore, #tpu.memory_space<semaphore_mem>>)
    %dma_wait3A_269 = arith.constant 2 : i32
    %dma_wait3A_270 = arith.constant 0 : i32
    %dma_wait3A_271 = arith.constant 0 : i32
    %dma_wait3A_272 = tpu.memref_slice %arg14[%dma_wait3A_270, %dma_wait3A_271] : memref<256x128xf32, #tpu.memory_space<vmem>> -> memref<128x128xf32, #tpu.memory_space<vmem>>
    %dma_wait3A_273 = arith.constant 0 : i32
    %dma_wait3A_274 = tpu.memref_slice %arg11[%dma_wait3A_269, %dma_wait3A_273] : memref<4x128xi32, #tpu.memory_space<vmem>> -> memref<1x128xi32, #tpu.memory_space<vmem>>
    %dma_wait3A_275 = tpu.memref_squeeze %dma_wait3A_274 : memref<1x128xi32, #tpu.memory_space<vmem>> -> memref<128xi32, #tpu.memory_space<vmem>>
    %dma_wait3A_276 = arith.constant 0 : i32
    %dma_wait3A_277 = arith.constant 0 : i32
    %dma_wait3A_278 = tpu.memref_slice %arg6[%dma_wait3A_276, %dma_wait3A_277] : memref<100000x128xf32, #tpu.memory_space<hbm>> -> memref<100000x128xf32, #tpu.memory_space<hbm>>
    tpu.wait_indirect_dma semaphore(%arg15 : memref<!tpu.dma_semaphore, #tpu.memory_space<semaphore_mem>>) src(%dma_wait3A_278 : memref<100000x128xf32, #tpu.memory_space<hbm>>) dst(%dma_wait3A_272 : memref<128x128xf32, #tpu.memory_space<vmem>>)
    %dma_wait3A_279 = arith.constant 3 : i32
    %dma_wait3A_280 = arith.constant 128 : i32
    %dma_wait3A_281 = arith.constant 0 : i32
    %dma_wait3A_282 = tpu.memref_slice %arg14[%dma_wait3A_280, %dma_wait3A_281] : memref<256x128xf32, #tpu.memory_space<vmem>> -> memref<128x128xf32, #tpu.memory_space<vmem>>
    %dma_wait3A_283 = arith.constant 0 : i32
    %dma_wait3A_284 = tpu.memref_slice %arg11[%dma_wait3A_279, %dma_wait3A_283] : memref<4x128xi32, #tpu.memory_space<vmem>> -> memref<1x128xi32, #tpu.memory_space<vmem>>
    %dma_wait3A_285 = tpu.memref_squeeze %dma_wait3A_284 : memref<1x128xi32, #tpu.memory_space<vmem>> -> memref<128xi32, #tpu.memory_space<vmem>>
    %dma_wait3A_286 = arith.constant 0 : i32
    %dma_wait3A_287 = arith.constant 0 : i32
    %dma_wait3A_288 = tpu.memref_slice %arg6[%dma_wait3A_286, %dma_wait3A_287] : memref<100000x128xf32, #tpu.memory_space<hbm>> -> memref<100000x128xf32, #tpu.memory_space<hbm>>
    tpu.wait_indirect_dma semaphore(%arg15 : memref<!tpu.dma_semaphore, #tpu.memory_space<semaphore_mem>>) src(%dma_wait3A_288 : memref<100000x128xf32, #tpu.memory_space<hbm>>) dst(%dma_wait3A_282 : memref<128x128xf32, #tpu.memory_space<vmem>>)
    %add3A_289 = arith.constant 256 : i32
    %add3A_290 = arith.addi %mul3A_2, %add3A_289 : i32
    %dma_start3A_291 = arith.constant 0 : i32
    %dma_start3A_292 = tpu.memref_slice %arg9[%add3A_290, %dma_start3A_291] : memref<16384x128xf32, #tpu.memory_space<hbm>> -> memref<256x128xf32, #tpu.memory_space<hbm>>
    %dma_start3A_293 = arith.constant 0 : i32
    %dma_start3A_294 = tpu.memref_slice %arg9[%add3A_290, %dma_start3A_293] : memref<16384x128xf32, #tpu.memory_space<hbm>> -> memref<256x128xf32, #tpu.memory_space<hbm>>
    tpu.enqueue_dma source(%arg14 : memref<256x128xf32, #tpu.memory_space<vmem>>) target(%dma_start3A_294 : memref<256x128xf32, #tpu.memory_space<hbm>>) target_semaphore(%arg17 : memref<!tpu.dma_semaphore, #tpu.memory_space<semaphore_mem>>)
    %dma_wait3A_295 = arith.constant 0 : i32
    %dma_wait3A_296 = tpu.memref_slice %arg9[%add3A_240, %dma_wait3A_295] : memref<16384x128xf32, #tpu.memory_space<hbm>> -> memref<256x128xf32, #tpu.memory_space<hbm>>
    %dma_wait3A_297 = arith.constant 0 : i32
    %dma_wait3A_298 = tpu.memref_slice %arg9[%add3A_240, %dma_wait3A_297] : memref<16384x128xf32, #tpu.memory_space<hbm>> -> memref<256x128xf32, #tpu.memory_space<hbm>>
    tpu.wait_dma2 semaphore(%arg16 : memref<!tpu.dma_semaphore, #tpu.memory_space<semaphore_mem>>) src(%arg13 : memref<256x128xf32, #tpu.memory_space<vmem>>) dst(%dma_wait3A_298 : memref<256x128xf32, #tpu.memory_space<hbm>>)
    %dma_wait3A_299 = arith.constant 0 : i32
    %dma_wait3A_300 = tpu.memref_slice %arg9[%add3A_290, %dma_wait3A_299] : memref<16384x128xf32, #tpu.memory_space<hbm>> -> memref<256x128xf32, #tpu.memory_space<hbm>>
    %dma_wait3A_301 = arith.constant 0 : i32
    %dma_wait3A_302 = tpu.memref_slice %arg9[%add3A_290, %dma_wait3A_301] : memref<16384x128xf32, #tpu.memory_space<hbm>> -> memref<256x128xf32, #tpu.memory_space<hbm>>
    tpu.wait_dma2 semaphore(%arg17 : memref<!tpu.dma_semaphore, #tpu.memory_space<semaphore_mem>>) src(%arg14 : memref<256x128xf32, #tpu.memory_space<vmem>>) dst(%dma_wait3A_302 : memref<256x128xf32, #tpu.memory_space<hbm>>)
    return
  }
}

module attributes {stable_mosaic.version = 14 : i64} {
  func.func @_score_body(%arg0: i32, %arg1: memref<2048x128xf32, #tpu.memory_space<vmem>>, %arg2: memref<2048x128xf32, #tpu.memory_space<vmem>>, %arg3: memref<2048x128xf32, #tpu.memory_space<vmem>>, %arg4: memref<2048xf32, #tpu.memory_space<vmem>>) attributes {dimension_semantics = [#tpu.dimension_semantics<arbitrary>], iteration_bounds = array<i64: 8>, scalar_prefetch = 0 : i64, scratch_operands = 0 : i64, tpu.core_type = #tpu.core_type<tc>, window_params = [{transform_indices = @transform_0, window_bounds = array<i64: 2048, 128>}, {transform_indices = @transform_1, window_bounds = array<i64: 2048, 128>}, {transform_indices = @transform_2, window_bounds = array<i64: 2048, 128>}, {transform_indices = @transform_3, window_bounds = array<i64: 2048>}]} {
    %get3A = arith.constant 0 : index
    %get3A_0 = arith.constant 0 : index
    %get3A_1 = vector.load %arg1[%get3A, %get3A_0] : memref<2048x128xf32, #tpu.memory_space<vmem>>, vector<2048x128xf32>
    %slice3A = vector.extract_strided_slice %get3A_1 {offsets = [0, 0], sizes = [2048, 64], strides = [1, 1]} : vector<2048x128xf32> to vector<2048x64xf32>
    %get3A_2 = arith.constant 0 : index
    %get3A_3 = arith.constant 0 : index
    %get3A_4 = vector.load %arg2[%get3A_2, %get3A_3] : memref<2048x128xf32, #tpu.memory_space<vmem>>, vector<2048x128xf32>
    %slice3A_5 = vector.extract_strided_slice %get3A_4 {offsets = [0, 0], sizes = [2048, 64], strides = [1, 1]} : vector<2048x128xf32> to vector<2048x64xf32>
    %get3A_6 = arith.constant 0 : index
    %get3A_7 = arith.constant 0 : index
    %get3A_8 = vector.load %arg3[%get3A_6, %get3A_7] : memref<2048x128xf32, #tpu.memory_space<vmem>>, vector<2048x128xf32>
    %slice3A_9 = vector.extract_strided_slice %get3A_8 {offsets = [0, 0], sizes = [2048, 64], strides = [1, 1]} : vector<2048x128xf32> to vector<2048x64xf32>
    %slice3A_10 = vector.extract_strided_slice %get3A_8 {offsets = [0, 64], sizes = [2048, 64], strides = [1, 1]} : vector<2048x128xf32> to vector<2048x64xf32>
    %mul3A = arith.mulf %slice3A_10, %slice3A_10 : vector<2048x64xf32>
    %reduce_sum3A = arith.constant dense<0.000000e+00> : vector<2048xf32>
    %reduce_sum3A_11 = vector.multi_reduction <add>, %mul3A, %reduce_sum3A [1] : vector<2048x64xf32> to vector<2048xf32>
    %broadcast_in_dim3A = vector.shape_cast %reduce_sum3A_11 : vector<2048xf32> to vector<2048x1xf32>
    %sqrt3A = math.sqrt %broadcast_in_dim3A : vector<2048x1xf32>
    %max3A = arith.constant 9.99999996E-13 : f32
    %max3A_12 = vector.broadcast %max3A : f32 to vector<2048x1xf32>
    %max3A_13 = arith.maximumf %sqrt3A, %max3A_12 : vector<2048x1xf32>
    %div3A = vector.broadcast %max3A_13 : vector<2048x1xf32> to vector<2048x64xf32>
    %div3A_14 = arith.divf %slice3A_10, %div3A : vector<2048x64xf32>
    %mul3A_15 = arith.mulf %slice3A, %div3A_14 : vector<2048x64xf32>
    %reduce_sum3A_16 = arith.constant dense<0.000000e+00> : vector<2048xf32>
    %reduce_sum3A_17 = vector.multi_reduction <add>, %mul3A_15, %reduce_sum3A_16 [1] : vector<2048x64xf32> to vector<2048xf32>
    %broadcast_in_dim3A_18 = vector.shape_cast %reduce_sum3A_17 : vector<2048xf32> to vector<2048x1xf32>
    %mul3A_19 = vector.broadcast %broadcast_in_dim3A_18 : vector<2048x1xf32> to vector<2048x64xf32>
    %mul3A_20 = arith.mulf %mul3A_19, %div3A_14 : vector<2048x64xf32>
    %sub3A = arith.subf %slice3A, %mul3A_20 : vector<2048x64xf32>
    %mul3A_21 = arith.mulf %slice3A_5, %div3A_14 : vector<2048x64xf32>
    %reduce_sum3A_22 = arith.constant dense<0.000000e+00> : vector<2048xf32>
    %reduce_sum3A_23 = vector.multi_reduction <add>, %mul3A_21, %reduce_sum3A_22 [1] : vector<2048x64xf32> to vector<2048xf32>
    %broadcast_in_dim3A_24 = vector.shape_cast %reduce_sum3A_23 : vector<2048xf32> to vector<2048x1xf32>
    %mul3A_25 = vector.broadcast %broadcast_in_dim3A_24 : vector<2048x1xf32> to vector<2048x64xf32>
    %mul3A_26 = arith.mulf %mul3A_25, %div3A_14 : vector<2048x64xf32>
    %sub3A_27 = arith.subf %slice3A_5, %mul3A_26 : vector<2048x64xf32>
    %mul3A_28 = arith.mulf %sub3A, %sub3A : vector<2048x64xf32>
    %reduce_sum3A_29 = arith.constant dense<0.000000e+00> : vector<2048xf32>
    %reduce_sum3A_30 = vector.multi_reduction <add>, %mul3A_28, %reduce_sum3A_29 [1] : vector<2048x64xf32> to vector<2048xf32>
    %broadcast_in_dim3A_31 = vector.shape_cast %reduce_sum3A_30 : vector<2048xf32> to vector<2048x1xf32>
    %sqrt3A_32 = math.sqrt %broadcast_in_dim3A_31 : vector<2048x1xf32>
    %max3A_33 = arith.constant 9.99999996E-13 : f32
    %max3A_34 = vector.broadcast %max3A_33 : f32 to vector<2048x1xf32>
    %max3A_35 = arith.maximumf %sqrt3A_32, %max3A_34 : vector<2048x1xf32>
    %div3A_36 = vector.broadcast %max3A_35 : vector<2048x1xf32> to vector<2048x64xf32>
    %div3A_37 = arith.divf %sub3A, %div3A_36 : vector<2048x64xf32>
    %mul3A_38 = arith.mulf %sub3A_27, %sub3A_27 : vector<2048x64xf32>
    %reduce_sum3A_39 = arith.constant dense<0.000000e+00> : vector<2048xf32>
    %reduce_sum3A_40 = vector.multi_reduction <add>, %mul3A_38, %reduce_sum3A_39 [1] : vector<2048x64xf32> to vector<2048xf32>
    %broadcast_in_dim3A_41 = vector.shape_cast %reduce_sum3A_40 : vector<2048xf32> to vector<2048x1xf32>
    %sqrt3A_42 = math.sqrt %broadcast_in_dim3A_41 : vector<2048x1xf32>
    %max3A_43 = arith.constant 9.99999996E-13 : f32
    %max3A_44 = vector.broadcast %max3A_43 : f32 to vector<2048x1xf32>
    %max3A_45 = arith.maximumf %sqrt3A_42, %max3A_44 : vector<2048x1xf32>
    %div3A_46 = vector.broadcast %max3A_45 : vector<2048x1xf32> to vector<2048x64xf32>
    %div3A_47 = arith.divf %sub3A_27, %div3A_46 : vector<2048x64xf32>
    %add3A = arith.addf %div3A_37, %slice3A_9 : vector<2048x64xf32>
    %sub3A_48 = arith.subf %add3A, %div3A_47 : vector<2048x64xf32>
    %mul3A_49 = arith.mulf %sub3A_48, %sub3A_48 : vector<2048x64xf32>
    %reduce_sum3A_50 = arith.constant dense<0.000000e+00> : vector<2048xf32>
    %reduce_sum3A_51 = vector.multi_reduction <add>, %mul3A_49, %reduce_sum3A_50 [1] : vector<2048x64xf32> to vector<2048xf32>
    %sqrt3A_52 = math.sqrt %reduce_sum3A_51 : vector<2048xf32>
    %swap3A = arith.constant 0 : index
    %swap3A_53 = vector.load %arg4[%swap3A] : memref<2048xf32, #tpu.memory_space<vmem>>, vector<2048xf32>
    tpu.vector_store %arg4[%swap3A], %sqrt3A_52 {strides = array<i32>} : memref<2048xf32, #tpu.memory_space<vmem>>, vector<2048xf32>,
    return
  }
  func.func @transform_0(%arg0: i32) -> (i32, i32) {
    %c0_i32 = arith.constant 0 : i32
    %c0_i32_0 = arith.constant 0 : i32
    return %arg0, %c0_i32 : i32, i32
  }
  func.func @transform_1(%arg0: i32) -> (i32, i32) {
    %c0_i32 = arith.constant 0 : i32
    %c0_i32_0 = arith.constant 0 : i32
    return %arg0, %c0_i32 : i32, i32
  }
  func.func @transform_2(%arg0: i32) -> (i32, i32) {
    %c0_i32 = arith.constant 0 : i32
    %c0_i32_0 = arith.constant 0 : i32
    return %arg0, %c0_i32 : i32, i32
  }
  func.func @transform_3(%arg0: i32) -> i32 {
    %c0_i32 = arith.constant 0 : i32
    return %arg0 : i32
  }
}

</mosaic_0001>

<sc_bundles>
// kernel: kernel.4.cloned.1.call-start
scs
__scs_entry_jumppad:
0x0: {  	(pc) =	sbr.rel $0x88, $3  }
0x1: {  	(tag) =	ssettag $0x0;
	lr =	simm.s32 $0x1  }
0x2: {  	[smem:$0x3F9D] =	sst lr;
	_ =	strace $0xD0000000  }
0x3: {  	_ = 	snop  }
0x4: {  	_ = 	snop  }
0x5: {  	_ = 	snop  }
0x6: {  	_ = 	snop  }
0x7: {  	_ = 	snop  }
__scs_overlays_trampoline_lowered:
0x8: {  	[smem:$0x3FAC] =	sst s0  }
0x9: {  	[smem:$0x3FAD] =	sst s1  }
0xa: {  	[smem:$0x3FAE] =	sst s2  }
0xb: {  	[smem:$0x3FAF] =	sst s3  }
0xc: {  	[smem:$0x3FB0] =	sst s4  }
0xd: {  	[smem:$0x3FB1] =	sst s5  }
0xe: {  	[smem:$0x3FB2] =	sst s6  }
0xf: {  	[smem:$0x3FB3] =	sst s7  }
0x10: {  	[smem:$0x3FB4] =	sst s8  }
0x11: {  	[smem:$0x3FB5] =	sst s9;
	s0 =	simm.s32 @!p0 $0x0  }
0x12: {  	s1 =	sld [smem:$0x3F9B];
	s0 =	simm.s32 @p0 $0x1  }
0x13: {  	[smem:$0x3FB6] =	sst s0;
	s0 =	simm.s32 @!p1 $0x0  }
0x14: {  	s2 =	sld [smem:$0x3F9A];
	s0 =	simm.s32 @p1 $0x1  }
0x15: {  	[smem:$0x3FB7] =	sst s0;
	s0 =	simm.s32 @!p2 $0x0  }
0x16: {  	s3 =	sld [smem:$0x3FDB];
	s0 =	simm.s32 @p2 $0x1  }
0x17: {  	s4 =	simm.s32 $0x1BF5;
	[smem:$0x3FB9] =	sst s0  }
0x18: {  	s0 =	sld [smem:$0x3F9C];
	_ =	swait.ge [sflag:s4], $0x0  }
0x19: {  	s7 =	sld [smem:$0x3F9D]  }
0x1a: {  	s8 =	sadd.s32 $0xFFFFE003, lr  }
0x1b: {  	s9 =	sadd.s32 $0xFFFFFEF7, lr;
	s5 =	simm.s32 $0xFFFFFFFF;
	p2 =	slt.u32 s8, $0xFFFFF086  }
0x1c: {  	p1 =	slt.u32 s9, $0xF7A;
	s5 =	simm.s32 @!p2 $0x0  }
0x1d: {  	s5 =	simm.s32 @p1 $0x1;
	p0 =	seq.s32 s7, s2  }
0x1e: {  	s7 =	smul.u32 @!p0 $0xF7A, s2;
	p2 =	seq.s32 @!p0 s5, $0x0  }
0x1f: {  	s9 =	smul.u32 $0xF7A, s1;
	s8 =	simm.s32 @!p0 $0x1BF5;
	p2 =	por !p2, p0  }
0x20: {  	[sflag:s8] =	ssyncset.s32 @!p0 $0xFFFFF086;
	s6 =	sadd.s32 @!p0 s3, s7;
	s7 =	simm.s32 @!p0 $0x108  }
0x21: {  	s3 =	sadd.s32 s3, s9;
	s6 =	sadd.s32 @!p0 $0x88, s6;
	s7 =	simm.s32 @p2 $0x1082  }
0x22: {  	[simem:s7], [sflag:s8] =	dma.local @!p0 [hbm:s6], $0xF7A  }
0x23: {  	s9 =	sor.u32 $0xD0000000, s2;
	s6 =	simm.s32 $0x108;
	_ =	swait.ge @!p0 [sflag:s8], $0x0  }
0x24: {  	s3 =	sadd.s32 $0x88, s3;
	s6 =	simm.s32 @!p1 $0x1082;
	[sflag:s4] =	ssyncset.s32 $0xFFFFF086  }
0x25: {  	[simem:s6], [sflag:s4] =	dma.local [hbm:s3], $0xF7A  }
0x26: {  	[smem:$0x3F9D] =	sst s1;
	(tag) =	ssettag s2;
	_ =	strace s9  }
0x27: {  	s1 =	sld [smem:$0x3FAD]  }
0x28: {  	s2 =	sld [smem:$0x3FAE]  }
0x29: {  	s4 =	sld [smem:$0x3FB0]  }
0x2a: {  	p0 =	seq.s32 s5, $0x0;
	s5 =	sld [smem:$0x3FB1]  }
0x2b: {  	s6 =	sld [smem:$0x3FB2]  }
0x2c: {  	s7 =	sld [smem:$0x3FB3]  }
0x2d: {  	s3 =	simm.s32 $0x108;
	s8 =	sld [smem:$0x3FB4]  }
0x2e: {  	s3 =	simm.s32 @!p0 $0x1082;
	s9 =	sld [smem:$0x3FB5]  }
0x2f: {  	lr =	sadd.s32 s0, s3;
	s0 =	sld [smem:$0x3FAC]  }
0x30: {  	s3 =	sld [smem:$0x3FAF]  }
0x31: {  	[smem:$0x3FB8] =	sst s10  }
0x32: {  	s10 =	sld [smem:$0x3FB6];
	_ =	sdelay $0x3  }
0x33: {  	p0 =	seq.s32 s10, $0x1;
	s10 =	sld [smem:$0x3FB8];
	_ =	sdelay $0x3  }
0x34: {  	[smem:$0x3FB8] =	sst s10  }
0x35: {  	s10 =	sld [smem:$0x3FB7];
	_ =	sdelay $0x3  }
0x36: {  	p1 =	seq.s32 s10, $0x1;
	s10 =	sld [smem:$0x3FB8];
	_ =	sdelay $0x3  }
0x37: {  	[smem:$0x3FB8] =	sst s10  }
0x38: {  	s10 =	sld [smem:$0x3FB9]  }
0x39: {  	_ = 	snop;
	(pc) =	sbr.ind lr, $3  }
0x3a: {  	_ = 	snop  }
0x3b: {  	_ = 	snop  }
0x3c: {  	p2 =	seq.s32 s10, $0x1;
	s10 =	sld [smem:$0x3FB8]  }
0x3d: {  	_ =	shalt  }
0x3e: {  	_ =	shalt  }
0x3f: {  	_ =	shalt  }
0x40: {  	_ =	shalt  }
0x41: {  	_ =	shalt  }
0x42: {  	_ =	shalt  }
0x43: {  	_ =	shalt  }
0x44: {  	_ =	shalt  }
0x45: {  	_ =	shalt  }
0x46: {  	_ =	shalt  }
0x47: {  	_ =	shalt  }
0x48: {  	_ =	shalt  }
0x49: {  	_ =	shalt  }
0x4a: {  	_ =	shalt  }
0x4b: {  	_ =	shalt  }
0x4c: {  	_ =	shalt  }
0x4d: {  	_ =	shalt  }
0x4e: {  	_ =	shalt  }
0x4f: {  	_ =	shalt  }
0x50: {  	_ =	shalt  }
0x51: {  	_ =	shalt  }
0x52: {  	_ =	shalt  }
0x53: {  	_ =	shalt  }
0x54: {  	_ =	shalt  }
0x55: {  	_ =	shalt  }
0x56: {  	_ =	shalt  }
0x57: {  	_ =	shalt  }
0x58: {  	_ =	shalt  }
0x59: {  	_ =	shalt  }
0x5a: {  	_ =	shalt  }
0x5b: {  	_ =	shalt  }
0x5c: {  	_ =	shalt  }
0x5d: {  	_ =	shalt  }
0x5e: {  	_ =	shalt  }
0x5f: {  	_ =	shalt  }
0x60: {  	_ =	shalt  }
0x61: {  	_ =	shalt  }
0x62: {  	_ =	shalt  }
0x63: {  	_ =	shalt  }
0x64: {  	_ =	shalt  }
0x65: {  	_ =	shalt  }
0x66: {  	_ =	shalt  }
0x67: {  	_ =	shalt  }
0x68: {  	_ =	shalt  }
0x69: {  	_ =	shalt  }
0x6a: {  	_ =	shalt  }
0x6b: {  	_ =	shalt  }
0x6c: {  	_ =	shalt  }
0x6d: {  	_ =	shalt  }
0x6e: {  	_ =	shalt  }
0x6f: {  	_ =	shalt  }
0x70: {  	_ =	shalt  }
0x71: {  	_ =	shalt  }
0x72: {  	_ =	shalt  }
0x73: {  	_ =	shalt  }
0x74: {  	_ =	shalt  }
0x75: {  	_ =	shalt  }
0x76: {  	_ =	shalt  }
0x77: {  	_ =	shalt  }
0x78: {  	_ =	shalt  }
0x79: {  	_ =	shalt  }
0x7a: {  	_ =	shalt  }
0x7b: {  	_ =	shalt  }
0x7c: {  	_ =	shalt  }
0x7d: {  	_ =	shalt  }
0x7e: {  	_ =	shalt  }
0x7f: {  	_ =	shalt  }
0x80: {  	_ =	shalt  }
0x81: {  	_ =	shalt  }
0x82: {  	_ =	shalt  }
0x83: {  	_ =	shalt  }
0x84: {  	_ =	shalt  }
0x85: {  	_ =	shalt  }
0x86: {  	_ =	shalt  }
0x87: {  	_ =	shalt  }
.Lfunc_end0:
.L_simem_size_0:
called_computation_lowered:
.L_overlay_start_0:
0x88: {  	s2 =	sld [smem:$0x3FD9]  }
0x89: {  	s3 =	sld [smem:$0x3FFE];
	_ =	sdelay $0x1  }
0x8a: {  	s1 =	srdreg.scid  }
0x8b: {  	s0 =	sand.u32 $0x1, s1  }
0x8c: {  	s17 =	sshll.u32 s0, $0xA;
	s2 =	sadd.s32 s3, s2  }
0x8d: {  	s2 =	sadd.s32 s2, s17  }
0x8e: {  	[smem:$0x3FC4] =	sst s2  }
0x8f: {  	_ = 	snop  }
0x90: {  	s2 =	sld [smem:$0x3FD0];
	(tm) =	ssettm $0x1  }
0x91: {  	s18 =	sld [smem:$0x3FFB];
	_ =	sdelay $0x3  }
0x92: {  	_ =	strace s18  }
0x93: {  	s3 =	sld [smem:$0x3FFC];
	_ =	sdelay $0x3  }
0x94: {  	_ =	strace s3  }
0x95: {  	s3 =	sld [smem:$0x3FFD];
	_ =	sdelay $0x3  }
0x96: {  	_ =	strace s3  }
0x97: {  	_ =	strace $0x8FFFFFFF  }
0x98: {  	s19 =	sld [smem:$0x3FDB];
	_ =	sdelay $0x1  }
0x99: {  	s4 =	simm.s32 $_scs_section_size  }
0x9a: {  	s5 =	simm.s32 $_size__tile_overlayer_lowered;
	s6 =	simm.s32 $_tile_overlayer_lowered  }
0x9b: {  	s22 =	simm.s32 $0x1BFF;
	s21 =	sshll.u32 s6, $0x1;
	s3 =	sadd.s32 s4, s19  }
0x9c: {  	s7 =	simm.s32 $0x0;
	s20 =	sshll.u32 s5, $0x1;
	s5 =	sadd.s32 s21, s3  }
0x9d: {  	[timem:s7], [sflag:s22] =	dma.local [hbm:s5], s20  }
0x9e: {  	_ =	swait.ge [sflag:s22], s20  }
0x9f: {  	s4 =	ssub.s32 $0x0, s20;
	[sflag:s22] =	ssyncset.done $0x0  }
0xa0: {  	[sflag:s22] =	ssyncadd.s32 s4;
	_ =	sdelay $0x1  }
0xa1: {  	s23 =	simm.s32 $0x1B8B  }
0xa2: {  	_ =	swait.ge [sflag:s23], $0x1  }
0xa3: {  	[sflag:s23] =	ssyncset.done $0x0  }
0xa4: {  	s25 =	simm.s32 $0x1B8E;
	s24 =	sld [smem:$0x3FFE];
	[sflag:s23] =	ssyncadd.s32 $0xFFFFFFFF  }
0xa5: {  	s26 =	simm.s32 $execute0_lowered;
	[smem:$0x3FD2] =	sst s25  }
0xa6: {  	s5 =	sshll.u32 s26, $0x1;
	_ =	strace $0x80000046;
	[dreg:$0x1] =	wrdreg $0xFFFFFFFF  }
0xa7: {  	s28 =	simm.s32 $_size_execute0_lowered;
	s3 =	sadd.s32 s3, s5;
	[dreg:$0x0] =	wrdreg $0x0  }
0xa8: {  	s5 =	sshll.u32 s28, $0x1;
	[dreg:$0x2] =	wrdreg s3  }
0xa9: {  	[dreg:$0x3] =	wrdreg s5  }
0xaa: {  	[dreg:$0x4] =	wrdreg $0xC0  }
0xab: {  	_ =	task [dreg:s7], $0x5FFFF  }
0xac: {  	[dreg:$0x1] =	wrdreg $0xFFFFFFFF  }
0xad: {  	[dreg:$0x0] =	wrdreg $0x60  }
0xae: {  	[dreg:$0x2] =	wrdreg s24  }
0xaf: {  	[dreg:$0x3] =	wrdreg s2  }
0xb0: {  	[dreg:$0x4] =	wrdreg $0x9  }
0xb1: {  	_ =	task.clear_ibuf [dreg:s7], $0x5FFFF;
	_ =	strace $0x90000046  }
0xb2: {  	s29 =	simm.s32 $0x9;
	_ =	strace $0x80000048  }
0xb3: {  	_ =	swait.ge [sflag:s29], $0x1  }
0xb4: {  	[sflag:s29] =	ssyncadd.s32 $0xFFFFFFFF  }
0xb5: {  	_ =	strace $0x90000048  }
0xb6: {  	_ =	sfence  }
0xb7: {  	s30 =	sld [smem:$0x0];
	_ =	sdelay $0x2  }
0xb8: {  	s31 =	sshll.u32 s1, $0xD;
	s1 =	sshrl.u32 s1, $0x2  }
0xb9: {  	s3 =	sand.u32 $0x4000, s31;
	s1 =	sadd.s32 s1, s30  }
0xba: {  	s0 =	sor.u32 s3, s0;
	s1 =	sshll.u32 s1, $0x11  }
0xbb: {  	s0 =	sor.u32 s1, s0  }
0xbc: {  	s0 =	sadd.s32 $0x8F2B, s0  }
0xbd: {  	[sflag:s0] =	ssyncadd.remote.s32 $0x1  }
0xbe: {  	_ =	sfence.sel $0xFFFF  }
0xbf: {  	[dreg:$0x0] =	wrdreg $0xFFFFFFFF;
	(pc) =	sbr.abs _section_cstart, $3  }
0xc0: {  	[dreg:$0x1] =	wrdreg $0xFFFFFFFF  }
0xc1: {  	_ =	task.clear_ibuf [dreg:s7], $0x2FFFF;
	_ =	strace $0x9FFFFFFF  }
0xc2: {  	(tm) =	ssettm $0x7FFFFFFF  }
0xc3: {  	_ =	shalt  }
tec
execute0_lowered:
.L_overlay_start_1:
0x0: {  	(tag) =	ssettag $0x1  }
0x1: {  	s0 =	rddreg [dreg:$0x0]  }
0x2: {  	s4 =	rddreg [dreg:$0x1]  }
0x3: {  	s1 =	rddreg [dreg:$0x2];
	s3 =	srdreg.scid  }
0x4: {  	s6 =	stileid.u32;
	s2 =	simm.s32 $0x0;
	s31 =	simm.s32 $0x4  }
0x5: {  	s15 =	simm.s32 $0x200;
	s16 =	simm.s32 $0x4600;
	s29 =	simm.s32 $0x100  }
0x6: {  	s30 =	simm.s32 $0x180;
	s26 =	simm.s32 $0x480;
	p0 =	por $0x0, $0x0  }
0x7: {  	s20 =	simm.s32 $0x280;
	s17 =	simm.s32 $0x300;
	s18 =	simm.s32 $0x380  }
0x8: {  	s5 =	sand.u32 $0x1, s3;
	[smem:$0x7FF] =	sst s2;
	s8 =	sadd.s32 $0x3A00, s0  }
0x9: {  	s22 =	sshll.u32 s6, $0x1;
	s3 =	sadd.s32 $0x497800, s0;
	s10 =	sadd.s32 $0x18A400, s0  }
0xa: {  	s11 =	sadd.s32 $0x1CA400, s0;
	s6 =	sor.u32 s5, s22;
	_ =	strace $0x80000047  }
0xb: {  	s5 =	ssub.s32 $0x2, s5;
	s22 =	simm.s32 $0x400;
	s7 =	sshll.u32 s6, $0x6  }
0xc: {  	s12 =	sshrl.u32 s5, $0x1;
	s6 =	sshll.u32 s6, $0xD;
	s9 =	sadd.s32 s7, s0  }
0xd: {  	s0 =	sadd.s32 $0x20A400, s0;
	s5 =	ssub.s32 s5, s12;
	s23 =	sor.u32 $0x1000, s6  }
0xe: {  	s28 =	sadd.s32 s4, s7;
	s25 =	sadd.s32 s10, s6;
	s19 =	sadd.s32 s11, s6  }
0xf: {  	s12 =	simm.s32 $0x600;
	s7 =	simm.s32 $0x2;
	s24 =	smax.u32 s5, $0x1  }
0x10: {  	s13 =	sadd.s32 $0x3200, s9;
	s9 =	sadd.s32 $0x2A00, s9;
	p1 =	sne.s32 s24, $0x1  }
.Ltmp0:
0x11: {  	s21 =	sadd.s32 s10, s23;
	s14 =	sadd.s32 s11, s23;
	(pc) =	sbr.rel @!p1 .LBB2_5-.Ltmp0, $4  }
0x12: {  	s4 =	sadd.s32 s0, s23;
	s10 =	simm.s32 $0x80;
	s5 =	simm.s32 $0x1  }
0x13: {  	s11 =	simm.s32 $0x3;
	s23 =	simm.s32 $0x500;
	[dreg:$0x3] =	wrdreg s13  }
0x14: {  	[dreg:$0x4] =	wrdreg s9;
	s9 =	sadd.s32 s0, s6;
	s6 =	simm.s32 $0x8600  }
0x15: {  	s13 =	simm.s32 $0xC600;
	s0 =	sadd.s32 $0xFFFFFFFF, s24;
	s24 =	simm.s32 $0x580  }
0x16: {  	s1 =	rddreg [dreg:$0x3]  }
0x17: {  	[tilespmem:s2], [sflag:$0x4] =	stream.linear.gather [hbm4b:s1+s2], $0x200, $0x38;
	[tilespmem:$0x10600] =	vst v63  }
0x18: {  	_ =	swait.ge [sflag:s31], $0x200  }
0x19: {  	[sflag:s31] =	ssyncset.done $0x0  }
0x1a: {  	s1 =	rddreg [dreg:$0x4];
	[sflag:s31] =	ssyncadd.s32 $0xFFFFFE00  }
0x1b: {  	[tilespmem:s15], [sflag:$0x4] =	stream.linear.gather [hbm4b:s1+s2], $0x200, $0x38;
	[tilespmem:$0x10600] =	vst v63  }
0x1c: {  	_ =	swait.ge [sflag:s31], $0x200  }
0x1d: {  	[sflag:s31] =	ssyncset.done $0x0  }
0x1e: {  	[sflag:s31] =	ssyncadd.s32 $0xFFFFFE00  }
0x1f: {  	[tilespmem:s22], [sflag:$0x4] =	stream.linear.gather [hbm4b:s28+s2], $0x200, $0x38;
	[tilespmem:$0x10600] =	vst v63  }
0x20: {  	_ =	swait.ge [sflag:s31], $0x200  }
0x21: {  	[sflag:s31] =	ssyncset.done $0x0  }
0x22: {  	[sflag:s31] =	ssyncadd.s32 $0xFFFFFE00  }
0x23: {  	[tilespmem:s12], [sflag:$0x1] =	stream.indirect.gather [hbm4b:s8+s10], $0x80, s2, s10, $0xb8;
	[tilespmem:$0x10600] =	vst v63  }
0x24: {  	_ = 	snop  }
0x25: {  	[tilespmem:s16], [sflag:$0x1] =	stream.indirect.gather [hbm4b:s8+s10], $0x80, s10, s10, $0xb8;
	[tilespmem:$0x10600] =	vst v63  }
0x26: {  	_ =	swait.ge [sflag:s5], $0x4000  }
0x27: {  	[sflag:s5] =	ssyncset.done $0x0  }
0x28: {  	[sflag:s5] =	ssyncadd.s32 $0xFFFFC000  }
0x29: {  	_ =	swait.ge [sflag:s5], $0x4000  }
0x2a: {  	[sflag:s5] =	ssyncset.done $0x0  }
0x2b: {  	[sflag:s5] =	ssyncadd.s32 $0xFFFFC000  }
0x2c: {  	[hbm4b:s25+s2] =	stream.linear.scatter [tilespmem:s12], [sflag:$0x2], $0x8000, $0x38;
	[tilespmem:$0x10600] =	vst v63  }
0x2d: {  	_ = 	snop  }
0x2e: {  	[tilespmem:s6], [sflag:$0x1] =	stream.indirect.gather [hbm4b:s8+s10], $0x80, s29, s10, $0xb8;
	[tilespmem:$0x10600] =	vst v63  }
0x2f: {  	_ = 	snop  }
0x30: {  	[tilespmem:s13], [sflag:$0x1] =	stream.indirect.gather [hbm4b:s8+s10], $0x80, s30, s10, $0xb8;
	[tilespmem:$0x10600] =	vst v63  }
0x31: {  	_ =	swait.ge [sflag:s5], $0x4000  }
0x32: {  	[sflag:s5] =	ssyncset.done $0x0  }
0x33: {  	[sflag:s5] =	ssyncadd.s32 $0xFFFFC000  }
0x34: {  	_ =	swait.ge [sflag:s5], $0x4000  }
0x35: {  	[sflag:s5] =	ssyncset.done $0x0  }
0x36: {  	[sflag:s5] =	ssyncadd.s32 $0xFFFFC000  }
0x37: {  	[hbm4b:s21+s2] =	stream.linear.scatter [tilespmem:s6], [sflag:$0x3], $0x8000, $0x38;
	[tilespmem:$0x10600] =	vst v63  }
0x38: {  	_ =	swait.ge [sflag:s7], $0x8000  }
0x39: {  	[sflag:s7] =	ssyncset.done $0x0  }
0x3a: {  	[sflag:s7] =	ssyncadd.s32 $0xFFFF8000  }
0x3b: {  	[tilespmem:s12], [sflag:$0x1] =	stream.indirect.gather [hbm4b:s8+s10], $0x80, s22, s10, $0xb8;
	[tilespmem:$0x10600] =	vst v63  }
0x3c: {  	_ = 	snop  }
0x3d: {  	[tilespmem:s16], [sflag:$0x1] =	stream.indirect.gather [hbm4b:s8+s10], $0x80, s26, s10, $0xb8;
	[tilespmem:$0x10600] =	vst v63  }
0x3e: {  	_ =	swait.ge [sflag:s5], $0x4000  }
0x3f: {  	[sflag:s5] =	ssyncset.done $0x0  }
0x40: {  	[sflag:s5] =	ssyncadd.s32 $0xFFFFC000  }
0x41: {  	_ =	swait.ge [sflag:s5], $0x4000  }
0x42: {  	[sflag:s5] =	ssyncset.done $0x0  }
0x43: {  	[sflag:s5] =	ssyncadd.s32 $0xFFFFC000  }
0x44: {  	[hbm4b:s19+s2] =	stream.linear.scatter [tilespmem:s12], [sflag:$0x2], $0x8000, $0x38;
	[tilespmem:$0x10600] =	vst v63  }
0x45: {  	_ =	swait.ge [sflag:s11], $0x8000  }
0x46: {  	[sflag:s11] =	ssyncset.done $0x0  }
0x47: {  	[sflag:s11] =	ssyncadd.s32 $0xFFFF8000  }
0x48: {  	[tilespmem:s6], [sflag:$0x1] =	stream.indirect.gather [hbm4b:s8+s10], $0x80, s23, s10, $0xb8;
	[tilespmem:$0x10600] =	vst v63  }
0x49: {  	_ = 	snop  }
0x4a: {  	[tilespmem:s13], [sflag:$0x1] =	stream.indirect.gather [hbm4b:s8+s10], $0x80, s24, s10, $0xb8;
	[tilespmem:$0x10600] =	vst v63  }
0x4b: {  	_ =	swait.ge [sflag:s5], $0x4000  }
0x4c: {  	[sflag:s5] =	ssyncset.done $0x0  }
0x4d: {  	[sflag:s5] =	ssyncadd.s32 $0xFFFFC000  }
0x4e: {  	_ =	swait.ge [sflag:s5], $0x4000  }
0x4f: {  	[sflag:s5] =	ssyncset.done $0x0  }
0x50: {  	[sflag:s5] =	ssyncadd.s32 $0xFFFFC000  }
0x51: {  	[hbm4b:s14+s2] =	stream.linear.scatter [tilespmem:s6], [sflag:$0x3], $0x8000, $0x38;
	[tilespmem:$0x10600] =	vst v63  }
0x52: {  	_ =	swait.ge [sflag:s7], $0x8000  }
0x53: {  	[sflag:s7] =	ssyncset.done $0x0  }
0x54: {  	[sflag:s7] =	ssyncadd.s32 $0xFFFF8000  }
0x55: {  	[tilespmem:s12], [sflag:$0x1] =	stream.indirect.gather [hbm4b:s3+s10], $0x80, s15, s10, $0xb8;
	[tilespmem:$0x10600] =	vst v63  }
0x56: {  	_ = 	snop  }
0x57: {  	[tilespmem:s16], [sflag:$0x1] =	stream.indirect.gather [hbm4b:s3+s10], $0x80, s20, s10, $0xb8;
	[tilespmem:$0x10600] =	vst v63  }
0x58: {  	_ =	swait.ge [sflag:s5], $0x4000  }
0x59: {  	[sflag:s5] =	ssyncset.done $0x0  }
0x5a: {  	[sflag:s5] =	ssyncadd.s32 $0xFFFFC000  }
0x5b: {  	_ =	swait.ge [sflag:s5], $0x4000  }
0x5c: {  	[sflag:s5] =	ssyncset.done $0x0  }
0x5d: {  	[sflag:s5] =	ssyncadd.s32 $0xFFFFC000  }
0x5e: {  	[hbm4b:s9+s2] =	stream.linear.scatter [tilespmem:s12], [sflag:$0x2], $0x8000, $0x38;
	[tilespmem:$0x10600] =	vst v63  }
0x5f: {  	_ =	swait.ge [sflag:s11], $0x8000  }
0x60: {  	[sflag:s11] =	ssyncset.done $0x0  }
0x61: {  	[sflag:s11] =	ssyncadd.s32 $0xFFFF8000  }
0x62: {  	[tilespmem:s6], [sflag:$0x1] =	stream.indirect.gather [hbm4b:s3+s10], $0x80, s17, s10, $0xb8;
	[tilespmem:$0x10600] =	vst v63  }
0x63: {  	_ = 	snop  }
0x64: {  	[tilespmem:s13], [sflag:$0x1] =	stream.indirect.gather [hbm4b:s3+s10], $0x80, s18, s10, $0xb8;
	[tilespmem:$0x10600] =	vst v63  }
0x65: {  	_ =	swait.ge [sflag:s5], $0x4000  }
0x66: {  	[sflag:s5] =	ssyncset.done $0x0  }
0x67: {  	[sflag:s5] =	ssyncadd.s32 $0xFFFFC000  }
0x68: {  	_ =	swait.ge [sflag:s5], $0x4000  }
0x69: {  	[sflag:s5] =	ssyncset.done $0x0  }
0x6a: {  	p1 =	sne.s32 s0, $0x1;
	[sflag:s5] =	ssyncadd.s32 $0xFFFFC000  }
0x6b: {  	[hbm4b:s4+s2] =	stream.linear.scatter [tilespmem:s6], [sflag:$0x3], $0x8000, $0x38;
	[tilespmem:$0x10600] =	vst v63  }
.Ltmp1:
0x6c: {  	_ =	swait.ge [sflag:s7], $0x8000;
	(pc) =	sbr.rel @!p1 .LBB2_2-.Ltmp1, $4  }
0x6d: {  	[sflag:s7] =	ssyncset.done $0x0  }
0x6e: {  	[sflag:s7] =	ssyncadd.s32 $0xFFFF8000  }
0x6f: {  	_ =	swait.ge [sflag:s11], $0x8000  }
0x70: {  	s0 =	sadd.s32 $0xFFFFFFFF, s0;
	p0 =	por $0x1, $0x1;
	[sflag:s11] =	ssyncset.done $0x0  }
.LBB2_3:
0x71: {  	s1 =	rddreg [dreg:$0x3];
	[sflag:s11] =	ssyncadd.s32 $0xFFFF8000  }
0x72: {  	[tilespmem:s2], [sflag:$0x4] =	stream.linear.gather [hbm4b:s1+s2], $0x200, $0x38;
	[tilespmem:$0x10600] =	vst v63  }
0x73: {  	_ =	swait.ge [sflag:s31], $0x200  }
0x74: {  	[sflag:s31] =	ssyncset.done $0x0  }
0x75: {  	s1 =	rddreg [dreg:$0x4];
	[sflag:s31] =	ssyncadd.s32 $0xFFFFFE00  }
0x76: {  	[tilespmem:s15], [sflag:$0x4] =	stream.linear.gather [hbm4b:s1+s2], $0x200, $0x38;
	[tilespmem:$0x10600] =	vst v63  }
0x77: {  	_ =	swait.ge [sflag:s31], $0x200  }
0x78: {  	[sflag:s31] =	ssyncset.done $0x0  }
0x79: {  	[sflag:s31] =	ssyncadd.s32 $0xFFFFFE00  }
0x7a: {  	[tilespmem:s22], [sflag:$0x4] =	stream.linear.gather [hbm4b:s28+s2], $0x200, $0x38;
	[tilespmem:$0x10600] =	vst v63  }
0x7b: {  	_ =	swait.ge [sflag:s31], $0x200  }
0x7c: {  	[sflag:s31] =	ssyncset.done $0x0  }
0x7d: {  	[sflag:s31] =	ssyncadd.s32 $0xFFFFFE00  }
0x7e: {  	[tilespmem:s12], [sflag:$0x1] =	stream.indirect.gather [hbm4b:s8+s10], $0x80, s2, s10, $0xb8;
	[tilespmem:$0x10600] =	vst v63  }
0x7f: {  	_ = 	snop  }
0x80: {  	[tilespmem:s16], [sflag:$0x1] =	stream.indirect.gather [hbm4b:s8+s10], $0x80, s10, s10, $0xb8;
	[tilespmem:$0x10600] =	vst v63  }
0x81: {  	_ =	swait.ge [sflag:s5], $0x4000  }
0x82: {  	[sflag:s5] =	ssyncset.done $0x0  }
0x83: {  	[sflag:s5] =	ssyncadd.s32 $0xFFFFC000  }
0x84: {  	_ =	swait.ge [sflag:s5], $0x4000  }
0x85: {  	[sflag:s5] =	ssyncset.done $0x0  }
0x86: {  	[sflag:s5] =	ssyncadd.s32 $0xFFFFC000  }
0x87: {  	[hbm4b:s25+s2] =	stream.linear.scatter [tilespmem:s12], [sflag:$0x2], $0x8000, $0x38;
	[tilespmem:$0x10600] =	vst v63  }
0x88: {  	_ = 	snop  }
0x89: {  	[tilespmem:s6], [sflag:$0x1] =	stream.indirect.gather [hbm4b:s8+s10], $0x80, s29, s10, $0xb8;
	[tilespmem:$0x10600] =	vst v63  }
0x8a: {  	_ = 	snop  }
0x8b: {  	[tilespmem:s13], [sflag:$0x1] =	stream.indirect.gather [hbm4b:s8+s10], $0x80, s30, s10, $0xb8;
	[tilespmem:$0x10600] =	vst v63  }
0x8c: {  	_ =	swait.ge [sflag:s5], $0x4000  }
0x8d: {  	[sflag:s5] =	ssyncset.done $0x0  }
0x8e: {  	[sflag:s5] =	ssyncadd.s32 $0xFFFFC000  }
0x8f: {  	_ =	swait.ge [sflag:s5], $0x4000  }
0x90: {  	[sflag:s5] =	ssyncset.done $0x0  }
0x91: {  	[sflag:s5] =	ssyncadd.s32 $0xFFFFC000  }
0x92: {  	[hbm4b:s21+s2] =	stream.linear.scatter [tilespmem:s6], [sflag:$0x3], $0x8000, $0x38;
	[tilespmem:$0x10600] =	vst v63  }
0x93: {  	_ =	swait.ge [sflag:s7], $0x8000  }
0x94: {  	[sflag:s7] =	ssyncset.done $0x0  }
0x95: {  	[sflag:s7] =	ssyncadd.s32 $0xFFFF8000  }
0x96: {  	[tilespmem:s12], [sflag:$0x1] =	stream.indirect.gather [hbm4b:s8+s10], $0x80, s22, s10, $0xb8;
	[tilespmem:$0x10600] =	vst v63  }
0x97: {  	_ = 	snop  }
0x98: {  	[tilespmem:s16], [sflag:$0x1] =	stream.indirect.gather [hbm4b:s8+s10], $0x80, s26, s10, $0xb8;
	[tilespmem:$0x10600] =	vst v63  }
0x99: {  	_ =	swait.ge [sflag:s5], $0x4000  }
0x9a: {  	[sflag:s5] =	ssyncset.done $0x0  }
0x9b: {  	[sflag:s5] =	ssyncadd.s32 $0xFFFFC000  }
0x9c: {  	_ =	swait.ge [sflag:s5], $0x4000  }
0x9d: {  	[sflag:s5] =	ssyncset.done $0x0  }
0x9e: {  	[sflag:s5] =	ssyncadd.s32 $0xFFFFC000  }
0x9f: {  	[hbm4b:s19+s2] =	stream.linear.scatter [tilespmem:s12], [sflag:$0x2], $0x8000, $0x38;
	[tilespmem:$0x10600] =	vst v63  }
0xa0: {  	_ =	swait.ge [sflag:s11], $0x8000  }
0xa1: {  	[sflag:s11] =	ssyncset.done $0x0  }
0xa2: {  	[sflag:s11] =	ssyncadd.s32 $0xFFFF8000  }
0xa3: {  	[tilespmem:s6], [sflag:$0x1] =	stream.indirect.gather [hbm4b:s8+s10], $0x80, s23, s10, $0xb8;
	[tilespmem:$0x10600] =	vst v63  }
0xa4: {  	_ = 	snop  }
0xa5: {  	[tilespmem:s13], [sflag:$0x1] =	stream.indirect.gather [hbm4b:s8+s10], $0x80, s24, s10, $0xb8;
	[tilespmem:$0x10600] =	vst v63  }
0xa6: {  	_ =	swait.ge [sflag:s5], $0x4000  }
0xa7: {  	[sflag:s5] =	ssyncset.done $0x0  }
0xa8: {  	[sflag:s5] =	ssyncadd.s32 $0xFFFFC000  }
0xa9: {  	_ =	swait.ge [sflag:s5], $0x4000  }
0xaa: {  	[sflag:s5] =	ssyncset.done $0x0  }
0xab: {  	[sflag:s5] =	ssyncadd.s32 $0xFFFFC000  }
0xac: {  	[hbm4b:s14+s2] =	stream.linear.scatter [tilespmem:s6], [sflag:$0x3], $0x8000, $0x38;
	[tilespmem:$0x10600] =	vst v63  }
0xad: {  	_ =	swait.ge [sflag:s7], $0x8000  }
0xae: {  	[sflag:s7] =	ssyncset.done $0x0  }
0xaf: {  	[sflag:s7] =	ssyncadd.s32 $0xFFFF8000  }
0xb0: {  	[tilespmem:s12], [sflag:$0x1] =	stream.indirect.gather [hbm4b:s3+s10], $0x80, s15, s10, $0xb8;
	[tilespmem:$0x10600] =	vst v63  }
0xb1: {  	_ = 	snop  }
0xb2: {  	[tilespmem:s16], [sflag:$0x1] =	stream.indirect.gather [hbm4b:s3+s10], $0x80, s20, s10, $0xb8;
	[tilespmem:$0x10600] =	vst v63  }
0xb3: {  	_ =	swait.ge [sflag:s5], $0x4000  }
0xb4: {  	[sflag:s5] =	ssyncset.done $0x0  }
0xb5: {  	[sflag:s5] =	ssyncadd.s32 $0xFFFFC000  }
0xb6: {  	_ =	swait.ge [sflag:s5], $0x4000  }
0xb7: {  	[sflag:s5] =	ssyncset.done $0x0  }
0xb8: {  	[sflag:s5] =	ssyncadd.s32 $0xFFFFC000  }
0xb9: {  	[hbm4b:s9+s2] =	stream.linear.scatter [tilespmem:s12], [sflag:$0x2], $0x8000, $0x38;
	[tilespmem:$0x10600] =	vst v63  }
0xba: {  	_ =	swait.ge [sflag:s11], $0x8000  }
0xbb: {  	[sflag:s11] =	ssyncset.done $0x0  }
0xbc: {  	[sflag:s11] =	ssyncadd.s32 $0xFFFF8000  }
0xbd: {  	[tilespmem:s6], [sflag:$0x1] =	stream.indirect.gather [hbm4b:s3+s10], $0x80, s17, s10, $0xb8;
	[tilespmem:$0x10600] =	vst v63  }
0xbe: {  	_ = 	snop  }
0xbf: {  	[tilespmem:s13], [sflag:$0x1] =	stream.indirect.gather [hbm4b:s3+s10], $0x80, s18, s10, $0xb8;
	[tilespmem:$0x10600] =	vst v63  }
0xc0: {  	_ =	swait.ge [sflag:s5], $0x4000  }
0xc1: {  	[sflag:s5] =	ssyncset.done $0x0  }
0xc2: {  	[sflag:s5] =	ssyncadd.s32 $0xFFFFC000  }
0xc3: {  	_ =	swait.ge [sflag:s5], $0x4000  }
0xc4: {  	[sflag:s5] =	ssyncset.done $0x0  }
0xc5: {  	p1 =	sne.s32 s0, $0x1;
	[sflag:s5] =	ssyncadd.s32 $0xFFFFC000  }
0xc6: {  	[hbm4b:s4+s2] =	stream.linear.scatter [tilespmem:s6], [sflag:$0x3], $0x8000, $0x38;
	[tilespmem:$0x10600] =	vst v63  }
.Ltmp2:
0xc7: {  	_ =	swait.ge [sflag:s7], $0x8000;
	(pc) =	sbr.rel @p1 .LBB2_3-.Ltmp2, $4  }
0xc8: {  	[sflag:s7] =	ssyncset.done $0x0  }
0xc9: {  	[sflag:s7] =	ssyncadd.s32 $0xFFFF8000  }
0xca: {  	_ =	swait.ge [sflag:s11], $0x8000  }
0xcb: {  	s0 =	sadd.s32 $0xFFFFFFFF, s0;
	[sflag:s11] =	ssyncset.done $0x0  }
0xcc: {  	s1 =	rddreg [dreg:$0x2]  }
.LBB2_5:
0xcd: {  	s0 =	rddreg [dreg:$0x3];
	[sflag:s11] =	ssyncadd.s32 @p0 $0xFFFF8000  }
0xce: {  	[tilespmem:s2], [sflag:$0x4] =	stream.linear.gather [hbm4b:s0+s2], $0x200, $0x38;
	[tilespmem:$0x10600] =	vst v63  }
0xcf: {  	_ =	swait.ge [sflag:s31], $0x200  }
0xd0: {  	[sflag:s31] =	ssyncset.done $0x0  }
0xd1: {  	s0 =	rddreg [dreg:$0x4];
	[sflag:s31] =	ssyncadd.s32 $0xFFFFFE00  }
0xd2: {  	[tilespmem:s15], [sflag:$0x4] =	stream.linear.gather [hbm4b:s0+s2], $0x200, $0x38;
	[tilespmem:$0x10600] =	vst v63  }
0xd3: {  	_ =	swait.ge [sflag:s31], $0x200  }
0xd4: {  	[sflag:s31] =	ssyncset.done $0x0  }
0xd5: {  	[sflag:s31] =	ssyncadd.s32 $0xFFFFFE00  }
0xd6: {  	[tilespmem:s22], [sflag:$0x4] =	stream.linear.gather [hbm4b:s28+s2], $0x200, $0x38;
	[tilespmem:$0x10600] =	vst v63  }
0xd7: {  	_ =	swait.ge [sflag:s31], $0x200  }
0xd8: {  	[sflag:s31] =	ssyncset.done $0x0  }
0xd9: {  	[sflag:s31] =	ssyncadd.s32 $0xFFFFFE00  }
0xda: {  	[tilespmem:s12], [sflag:$0x1] =	stream.indirect.gather [hbm4b:s8+s10], $0x80, s2, s10, $0xb8;
	[tilespmem:$0x10600] =	vst v63  }
0xdb: {  	_ = 	snop  }
0xdc: {  	[tilespmem:s16], [sflag:$0x1] =	stream.indirect.gather [hbm4b:s8+s10], $0x80, s10, s10, $0xb8;
	[tilespmem:$0x10600] =	vst v63  }
0xdd: {  	_ =	swait.ge [sflag:s5], $0x4000  }
0xde: {  	[sflag:s5] =	ssyncset.done $0x0  }
0xdf: {  	[sflag:s5] =	ssyncadd.s32 $0xFFFFC000  }
0xe0: {  	_ =	swait.ge [sflag:s5], $0x4000  }
0xe1: {  	[sflag:s5] =	ssyncset.done $0x0  }
0xe2: {  	[sflag:s5] =	ssyncadd.s32 $0xFFFFC000  }
0xe3: {  	[hbm4b:s25+s2] =	stream.linear.scatter [tilespmem:s12], [sflag:$0x2], $0x8000, $0x38;
	[tilespmem:$0x10600] =	vst v63  }
0xe4: {  	_ = 	snop  }
0xe5: {  	[tilespmem:s6], [sflag:$0x1] =	stream.indirect.gather [hbm4b:s8+s10], $0x80, s29, s10, $0xb8;
	[tilespmem:$0x10600] =	vst v63  }
0xe6: {  	_ = 	snop  }
0xe7: {  	[tilespmem:s13], [sflag:$0x1] =	stream.indirect.gather [hbm4b:s8+s10], $0x80, s30, s10, $0xb8;
	[tilespmem:$0x10600] =	vst v63  }
0xe8: {  	_ =	swait.ge [sflag:s5], $0x4000  }
0xe9: {  	[sflag:s5] =	ssyncset.done $0x0  }
0xea: {  	[sflag:s5] =	ssyncadd.s32 $0xFFFFC000  }
0xeb: {  	_ =	swait.ge [sflag:s5], $0x4000  }
0xec: {  	[sflag:s5] =	ssyncset.done $0x0  }
0xed: {  	[sflag:s5] =	ssyncadd.s32 $0xFFFFC000  }
0xee: {  	[hbm4b:s21+s2] =	stream.linear.scatter [tilespmem:s6], [sflag:$0x3], $0x8000, $0x38;
	[tilespmem:$0x10600] =	vst v63  }
0xef: {  	_ =	swait.ge [sflag:s7], $0x8000  }
0xf0: {  	[sflag:s7] =	ssyncset.done $0x0  }
0xf1: {  	[sflag:s7] =	ssyncadd.s32 $0xFFFF8000  }
0xf2: {  	[tilespmem:s12], [sflag:$0x1] =	stream.indirect.gather [hbm4b:s8+s10], $0x80, s22, s10, $0xb8;
	[tilespmem:$0x10600] =	vst v63  }
0xf3: {  	_ = 	snop  }
0xf4: {  	[tilespmem:s16], [sflag:$0x1] =	stream.indirect.gather [hbm4b:s8+s10], $0x80, s26, s10, $0xb8;
	[tilespmem:$0x10600] =	vst v63  }
0xf5: {  	_ =	swait.ge [sflag:s5], $0x4000  }
0xf6: {  	[sflag:s5] =	ssyncset.done $0x0  }
0xf7: {  	[sflag:s5] =	ssyncadd.s32 $0xFFFFC000  }
0xf8: {  	_ =	swait.ge [sflag:s5], $0x4000  }
0xf9: {  	[sflag:s5] =	ssyncset.done $0x0  }
0xfa: {  	[sflag:s5] =	ssyncadd.s32 $0xFFFFC000  }
0xfb: {  	[hbm4b:s19+s2] =	stream.linear.scatter [tilespmem:s12], [sflag:$0x2], $0x8000, $0x38;
	[tilespmem:$0x10600] =	vst v63  }
0xfc: {  	_ =	swait.ge [sflag:s11], $0x8000  }
0xfd: {  	[sflag:s11] =	ssyncset.done $0x0  }
0xfe: {  	[sflag:s11] =	ssyncadd.s32 $0xFFFF8000  }
0xff: {  	[tilespmem:s6], [sflag:$0x1] =	stream.indirect.gather [hbm4b:s8+s10], $0x80, s23, s10, $0xb8;
	[tilespmem:$0x10600] =	vst v63  }
0x100: {  	_ = 	snop  }
0x101: {  	[tilespmem:s13], [sflag:$0x1] =	stream.indirect.gather [hbm4b:s8+s10], $0x80, s24, s10, $0xb8;
	[tilespmem:$0x10600] =	vst v63  }
0x102: {  	_ =	swait.ge [sflag:s5], $0x4000  }
0x103: {  	[sflag:s5] =	ssyncset.done $0x0  }
0x104: {  	[sflag:s5] =	ssyncadd.s32 $0xFFFFC000  }
0x105: {  	_ =	swait.ge [sflag:s5], $0x4000  }
0x106: {  	[sflag:s5] =	ssyncset.done $0x0  }
0x107: {  	[sflag:s5] =	ssyncadd.s32 $0xFFFFC000  }
0x108: {  	[hbm4b:s14+s2] =	stream.linear.scatter [tilespmem:s6], [sflag:$0x3], $0x8000, $0x38;
	[tilespmem:$0x10600] =	vst v63  }
0x109: {  	_ =	swait.ge [sflag:s7], $0x8000  }
0x10a: {  	[sflag:s7] =	ssyncset.done $0x0  }
0x10b: {  	[sflag:s7] =	ssyncadd.s32 $0xFFFF8000  }
0x10c: {  	[tilespmem:s12], [sflag:$0x1] =	stream.indirect.gather [hbm4b:s3+s10], $0x80, s15, s10, $0xb8;
	[tilespmem:$0x10600] =	vst v63  }
0x10d: {  	_ = 	snop  }
0x10e: {  	[tilespmem:s16], [sflag:$0x1] =	stream.indirect.gather [hbm4b:s3+s10], $0x80, s20, s10, $0xb8;
	[tilespmem:$0x10600] =	vst v63  }
0x10f: {  	_ =	swait.ge [sflag:s5], $0x4000  }
0x110: {  	[sflag:s5] =	ssyncset.done $0x0  }
0x111: {  	[sflag:s5] =	ssyncadd.s32 $0xFFFFC000  }
0x112: {  	_ =	swait.ge [sflag:s5], $0x4000  }
0x113: {  	[sflag:s5] =	ssyncset.done $0x0  }
0x114: {  	[sflag:s5] =	ssyncadd.s32 $0xFFFFC000  }
0x115: {  	[hbm4b:s9+s2] =	stream.linear.scatter [tilespmem:s12], [sflag:$0x2], $0x8000, $0x38;
	[tilespmem:$0x10600] =	vst v63  }
0x116: {  	_ =	swait.ge [sflag:s11], $0x8000  }
0x117: {  	[sflag:s11] =	ssyncset.done $0x0  }
0x118: {  	[sflag:s11] =	ssyncadd.s32 $0xFFFF8000  }
0x119: {  	[tilespmem:s6], [sflag:$0x1] =	stream.indirect.gather [hbm4b:s3+s10], $0x80, s17, s10, $0xb8;
	[tilespmem:$0x10600] =	vst v63  }
0x11a: {  	_ = 	snop  }
0x11b: {  	[tilespmem:s13], [sflag:$0x1] =	stream.indirect.gather [hbm4b:s3+s10], $0x80, s18, s10, $0xb8;
	[tilespmem:$0x10600] =	vst v63  }
0x11c: {  	_ =	swait.ge [sflag:s5], $0x4000  }
0x11d: {  	[sflag:s5] =	ssyncset.done $0x0  }
0x11e: {  	[sflag:s5] =	ssyncadd.s32 $0xFFFFC000  }
0x11f: {  	_ =	swait.ge [sflag:s5], $0x4000  }
0x120: {  	[sflag:s5] =	ssyncset.done $0x0  }
0x121: {  	[sflag:s5] =	ssyncadd.s32 $0xFFFFC000  }
0x122: {  	[hbm4b:s4+s2] =	stream.linear.scatter [tilespmem:s6], [sflag:$0x3], $0x8000, $0x38;
	[tilespmem:$0x10600] =	vst v63  }
0x123: {  	_ =	swait.ge [sflag:s7], $0x8000  }
0x124: {  	[sflag:s7] =	ssyncset.done $0x0  }
0x125: {  	[sflag:s7] =	ssyncadd.s32 $0xFFFF8000  }
0x126: {  	_ =	swait.ge [sflag:s11], $0x8000  }
0x127: {  	[sflag:s11] =	ssyncset.done $0x0  }
0x128: {  	[sflag:s11] =	ssyncadd.s32 $0xFFFF8000  }
0x129: {  	_ =	sfence.sel $0x180000  }
0x12a: {  	s31 =	stileid.u32;
	[bflag:$0x0] =	sbarrier.arrive $0xFFFF  }
0x12b: {  	p0 =	sne.s32 s31, $0x0;
	_ =	strace $0x90000047  }
0x12c: {  	s0 =	sadd.s32 @!p0 $0x100000, s1;
	[bflag:$0x2] =	sbarrier.arrive $0xFFFF  }
0x12d: {  	[sflag:s0] =	ssyncadd.tile.s32 @!p0 $0x1;
	_ =	shalt  }
.LBB2_2:
.Ltmp3:
0x12e: {  	(pc) =	sbr.rel .LBB2_5-.Ltmp3, $2  }
0x12f: {  	_ =	sdelay $0x2  }
0x130: {  	s1 =	rddreg [dreg:$0x2]  }
.Lfunc_end2:
_tile_overlayer_lowered:
.L_overlay_start_2:
0x131: {  	(tag) =	ssettag $0x2  }
0x132: {  	s0 =	rddreg [dreg:$0x0];
	s2 =	stileid.u32  }
0x133: {  	s1 =	rddreg [dreg:$0x1];
	p0 =	sne.s32 s2, $0x0  }
0x134: {  	s3 =	rddreg [dreg:$0x2];
	[bflag:$0x3] =	sbarrier.arrive $0xFFFF;
	s2 =	simm.s32 @!p0 $0x1C04  }
0x135: {  	[timem:s3], [sflag:s2] =	dma.local @!p0 [hbm:s0], s1  }
0x136: {  	s0 =	simm.s32 @!p0 $0x4  }
0x137: {  	_ =	swait.ge @!p0 [sflag:s0], s1  }
0x138: {  	s1 =	ssub.s32 @!p0 $0x0, s1;
	[sflag:s0] =	ssyncset.done @!p0 $0x0  }
0x139: {  	[sflag:s0] =	ssyncadd.s32 @!p0 s1  }
0x13a: {  	[bflag:$0x3] =	sbarrier.arrive $0xFFFF  }
0x13b: {  	_ =	shalt  }

</sc_bundles>
